<compile_context>
chip_gen: v7x
topology: tpu7x:2x2x1
jax: 0.10.2.dev20260603
libtpu: 0.0.44.dev20260713+nightly
codegen_flags: <defaults>
</compile_context>

<pallas_src>
import functools

import jax
import jax.numpy as jnp
from jax import lax
from jax.experimental import pallas as pl
from jax.experimental.pallas import tpu as pltpu
from jax.experimental.pallas import tpu_sc as plsc

E_DIM = 64
R_DIM = 64
OUT_DIM = E_DIM + R_DIM + E_DIM

_CHUNK = 128


@jax.jit
def _run(head, rel, tail, E_emb, R_emb):
    B = head.shape[0]
    info = plsc.get_sparse_core_info()
    NW = info.num_cores * info.num_subcores
    b_per_w = B // NW
    n_chunks = b_per_w // _CHUNK

    idx3 = jnp.stack([head, rel, tail]).astype(jnp.int32)
    idx3 = idx3.reshape(3, NW, n_chunks, _CHUNK)

    mesh = plsc.VectorSubcoreMesh(core_axis_name="c", subcore_axis_name="s")

    @functools.partial(
        pl.kernel,
        out_type=jax.ShapeDtypeStruct((B, OUT_DIM), jnp.float32),
        mesh=mesh,
        scratch_types=[
            pltpu.VMEM((3, n_chunks, _CHUNK), jnp.int32),
            pltpu.VMEM((b_per_w, E_DIM), jnp.float32),
            pltpu.VMEM((b_per_w, R_DIM), jnp.float32),
            pltpu.VMEM((b_per_w, E_DIM), jnp.float32),
            pltpu.SemaphoreType.DMA,
        ],
        compiler_params=pltpu.CompilerParams(use_tc_tiling_on_sc=False),
    )
    def k(e_hbm, r_hbm, idx_hbm, out_hbm, idx_v, h_v, rv_v, t_v, sem):
        wid = lax.axis_index("s") * info.num_cores + lax.axis_index("c")
        base = wid * b_per_w
        pltpu.sync_copy(idx_hbm.at[:, wid], idx_v)
        copies = []
        for j in range(n_chunks):
            rows = pl.ds(j * _CHUNK, _CHUNK)
            copies.append(pltpu.async_copy(
                e_hbm.at[idx_v.at[0, j]], h_v.at[rows], sem))
            copies.append(pltpu.async_copy(
                r_hbm.at[idx_v.at[1, j]], rv_v.at[rows], sem))
            copies.append(pltpu.async_copy(
                e_hbm.at[idx_v.at[2, j]], t_v.at[rows], sem))
        for c in copies:
            c.wait()
        rows = pl.ds(base, b_per_w)
        pltpu.sync_copy(h_v, out_hbm.at[rows, pl.ds(0, E_DIM)])
        pltpu.sync_copy(rv_v, out_hbm.at[rows, pl.ds(E_DIM, R_DIM)])
        pltpu.sync_copy(t_v, out_hbm.at[rows, pl.ds(E_DIM + R_DIM, E_DIM)])

    return k(E_emb, R_emb, idx3)


def kernel(head, rel, tail, E_emb, R_emb):
    return _run(head, rel, tail, E_emb, R_emb)

# --- scband reference (transcript-rebuilt; emitter-appended) ---
"""Pipeline reference for scband-kgebase-model-60043642798155 (READ-ONLY COPY).

The authoritative reference and input builder live on the scoring server;
editing this copy changes nothing except your own understanding.
"""

import jax, jax.numpy as jnp
import numpy as np

E_NUM = 1000000
R_NUM = 1000
E_DIM = 64
R_DIM = 64
B = 16384


def setup_inputs(seed: int = 0) -> dict:
    key = jax.random.key(seed)
    k1, k2, k3, k4, k5 = jax.random.split(key, 5)
    head = jax.random.randint(k1, (B,), 0, E_NUM, dtype=jnp.int64) if jax.config.jax_enable_x64 else jax.random.randint(k1, (B,), 0, E_NUM).astype(jnp.int32)
    rel = jax.random.randint(k2, (B,), 0, R_NUM).astype(head.dtype)
    tail = jax.random.randint(k3, (B,), 0, E_NUM).astype(head.dtype)
    # ns='uni' branch: xavier-style uniform init of the embedding tables
    e_bound = float(np.sqrt(6.0 / (E_NUM + E_DIM)))
    r_bound = float(np.sqrt(6.0 / (R_NUM + R_DIM)))
    # use a modest bound so values are well-scaled
    E_emb = jax.random.uniform(k4, (E_NUM, E_DIM), minval=-e_bound, maxval=e_bound, dtype=jnp.float32)
    R_emb = jax.random.uniform(k5, (R_NUM, R_DIM), minval=-r_bound, maxval=r_bound, dtype=jnp.float32)
    return {"head": head, "rel": rel, "tail": tail, "E_emb": E_emb, "R_emb": R_emb}


def reference(head, rel, tail, E_emb, R_emb):
    # KGE triple embedding lookup (the shared data-processing step of KGEBaseModel):
    # gather head/tail rows from the entity table and relation rows from the relation table.
    h = jnp.take(E_emb, head, axis=0)   # [B, E_DIM]
    r = jnp.take(R_emb, rel, axis=0)    # [B, R_DIM]
    t = jnp.take(E_emb, tail, axis=0)   # [B, E_DIM]
    return jnp.concatenate([h, r, t], axis=-1)  # [B, E_DIM + R_DIM + E_DIM]

if __name__ == "__main__":
    import jax
    _d = setup_inputs()
    print(jax.jit(kernel)(*tuple(_d.values())))

</pallas_src>

<mosaic_0001>
#map = affine_map<(d0, d1) -> (0, 0)>
#map1 = affine_map<(d0, d1) -> (0, 0, 0, 0)>
module attributes {stable_mosaic.version = 14 : i64} {
  func.func @k(%arg0: i32, %arg1: i32, %arg2: memref<1000000x64xf32, #tpu.memory_space<hbm>>, %arg3: memref<1000x64xf32, #tpu.memory_space<hbm>>, %arg4: memref<3x32x4x128xi32, #tpu.memory_space<hbm>>, %arg5: memref<16384x192xf32, #tpu.memory_space<hbm>>, %arg6: memref<3x4x128xi32, #tpu.memory_space<vmem>>, %arg7: memref<512x64xf32, #tpu.memory_space<vmem>>, %arg8: memref<512x64xf32, #tpu.memory_space<vmem>>, %arg9: memref<512x64xf32, #tpu.memory_space<vmem>>, %arg10: memref<!tpu.dma_semaphore, #tpu.memory_space<semaphore_mem>>) attributes {dimension_semantics = [#tpu.dimension_semantics<core_parallel>, #tpu.dimension_semantics<subcore_parallel>], iteration_bounds = array<i64: 2, 16>, scalar_prefetch = 0 : i64, scratch_operands = 5 : i64, tpu.core_type = #tpu.core_type<sc_vector_subcore>, window_params = [{transform_indices = #map}, {transform_indices = #map}, {transform_indices = #map1}, {transform_indices = #map}]} {
    %mul3A = arith.constant 2 : i32
    %mul3A_0 = arith.muli %arg1, %mul3A : i32
    %add3A = arith.addi %mul3A_0, %arg0 : i32
    %mul3A_1 = arith.constant 512 : i32
    %mul3A_2 = arith.muli %add3A, %mul3A_1 : i32
    "tpu.region"() ({
      %run_scoped3A = tpu.sem_alloc : memref<!tpu.dma_semaphore, #tpu.memory_space<semaphore_mem>>
      %dma_start3A_265 = arith.constant 0 : i32
      %dma_start3A_266 = arith.constant 0 : i32
      %dma_start3A_267 = arith.constant 0 : i32
      %dma_start3A_268 = tpu.memref_slice %arg4[%dma_start3A_265, %add3A, %dma_start3A_266, %dma_start3A_267] : memref<3x32x4x128xi32, #tpu.memory_space<hbm>> -> memref<3x1x4x128xi32, #tpu.memory_space<hbm>>
      %dma_start3A_269 = tpu.memref_squeeze %dma_start3A_268 : memref<3x1x4x128xi32, #tpu.memory_space<hbm>> -> memref<3x4x128xi32, #tpu.memory_space<hbm>>
      %dma_start3A_270 = arith.constant 0 : i32
      %dma_start3A_271 = arith.constant 0 : i32
      %dma_start3A_272 = arith.constant 0 : i32
      %dma_start3A_273 = tpu.memref_slice %arg4[%dma_start3A_270, %add3A, %dma_start3A_271, %dma_start3A_272] : memref<3x32x4x128xi32, #tpu.memory_space<hbm>> -> memref<3x1x4x128xi32, #tpu.memory_space<hbm>>
      %dma_start3A_274 = tpu.memref_squeeze %dma_start3A_273 : memref<3x1x4x128xi32, #tpu.memory_space<hbm>> -> memref<3x4x128xi32, #tpu.memory_space<hbm>>
      tpu.enqueue_dma source(%dma_start3A_274 : memref<3x4x128xi32, #tpu.memory_space<hbm>>) target(%arg6 : memref<3x4x128xi32, #tpu.memory_space<vmem>>) target_semaphore(%run_scoped3A : memref<!tpu.dma_semaphore, #tpu.memory_space<semaphore_mem>>)
      %dma_wait3A_275 = arith.constant 0 : i32
      %dma_wait3A_276 = arith.constant 0 : i32
      %dma_wait3A_277 = arith.constant 0 : i32
      %dma_wait3A_278 = tpu.memref_slice %arg4[%dma_wait3A_275, %add3A, %dma_wait3A_276, %dma_wait3A_277] : memref<3x32x4x128xi32, #tpu.memory_space<hbm>> -> memref<3x1x4x128xi32, #tpu.memory_space<hbm>>
      %dma_wait3A_279 = tpu.memref_squeeze %dma_wait3A_278 : memref<3x1x4x128xi32, #tpu.memory_space<hbm>> -> memref<3x4x128xi32, #tpu.memory_space<hbm>>
      %dma_wait3A_280 = arith.constant 0 : i32
      %dma_wait3A_281 = arith.constant 0 : i32
      %dma_wait3A_282 = arith.constant 0 : i32
      %dma_wait3A_283 = tpu.memref_slice %arg4[%dma_wait3A_280, %add3A, %dma_wait3A_281, %dma_wait3A_282] : memref<3x32x4x128xi32, #tpu.memory_space<hbm>> -> memref<3x1x4x128xi32, #tpu.memory_space<hbm>>
      %dma_wait3A_284 = tpu.memref_squeeze %dma_wait3A_283 : memref<3x1x4x128xi32, #tpu.memory_space<hbm>> -> memref<3x4x128xi32, #tpu.memory_space<hbm>>
      tpu.wait_dma2 semaphore(%run_scoped3A : memref<!tpu.dma_semaphore, #tpu.memory_space<semaphore_mem>>) src(%dma_wait3A_284 : memref<3x4x128xi32, #tpu.memory_space<hbm>>) dst(%arg6 : memref<3x4x128xi32, #tpu.memory_space<vmem>>)
      tpu.yield
    }) : () -> ()
    %dma_start3A = arith.constant 0 : i32
    %dma_start3A_3 = arith.constant 0 : i32
    %dma_start3A_4 = arith.constant 0 : i32
    %dma_start3A_5 = arith.constant 0 : i32
    %dma_start3A_6 = tpu.memref_slice %arg7[%dma_start3A_4, %dma_start3A_5] : memref<512x64xf32, #tpu.memory_space<vmem>> -> memref<128x64xf32, #tpu.memory_space<vmem>>
    %dma_start3A_7 = arith.constant 0 : i32
    %dma_start3A_8 = tpu.memref_slice %arg6[%dma_start3A, %dma_start3A_3, %dma_start3A_7] : memref<3x4x128xi32, #tpu.memory_space<vmem>> -> memref<1x1x128xi32, #tpu.memory_space<vmem>>
    %dma_start3A_9 = tpu.memref_squeeze %dma_start3A_8 : memref<1x1x128xi32, #tpu.memory_space<vmem>> -> memref<128xi32, #tpu.memory_space<vmem>>
    %dma_start3A_10 = arith.constant 0 : i32
    %dma_start3A_11 = arith.constant 0 : i32
    %dma_start3A_12 = tpu.memref_slice %arg2[%dma_start3A_10, %dma_start3A_11] : memref<1000000x64xf32, #tpu.memory_space<hbm>> -> memref<1000000x64xf32, #tpu.memory_space<hbm>>
    tpu.enqueue_indirect_dma source(%dma_start3A_12 : memref<1000000x64xf32, #tpu.memory_space<hbm>>) target(%dma_start3A_6 : memref<128x64xf32, #tpu.memory_space<vmem>>) offsets(%dma_start3A_9 : memref<128xi32, #tpu.memory_space<vmem>>) semaphore(%arg10 : memref<!tpu.dma_semaphore, #tpu.memory_space<semaphore_mem>>)
    %dma_start3A_13 = arith.constant 1 : i32
    %dma_start3A_14 = arith.constant 0 : i32
    %dma_start3A_15 = arith.constant 0 : i32
    %dma_start3A_16 = arith.constant 0 : i32
    %dma_start3A_17 = tpu.memref_slice %arg8[%dma_start3A_15, %dma_start3A_16] : memref<512x64xf32, #tpu.memory_space<vmem>> -> memref<128x64xf32, #tpu.memory_space<vmem>>
    %dma_start3A_18 = arith.constant 0 : i32
    %dma_start3A_19 = tpu.memref_slice %arg6[%dma_start3A_13, %dma_start3A_14, %dma_start3A_18] : memref<3x4x128xi32, #tpu.memory_space<vmem>> -> memref<1x1x128xi32, #tpu.memory_space<vmem>>
    %dma_start3A_20 = tpu.memref_squeeze %dma_start3A_19 : memref<1x1x128xi32, #tpu.memory_space<vmem>> -> memref<128xi32, #tpu.memory_space<vmem>>
    %dma_start3A_21 = arith.constant 0 : i32
    %dma_start3A_22 = arith.constant 0 : i32
    %dma_start3A_23 = tpu.memref_slice %arg3[%dma_start3A_21, %dma_start3A_22] : memref<1000x64xf32, #tpu.memory_space<hbm>> -> memref<1000x64xf32, #tpu.memory_space<hbm>>
    tpu.enqueue_indirect_dma source(%dma_start3A_23 : memref<1000x64xf32, #tpu.memory_space<hbm>>) target(%dma_start3A_17 : memref<128x64xf32, #tpu.memory_space<vmem>>) offsets(%dma_start3A_20 : memref<128xi32, #tpu.memory_space<vmem>>) semaphore(%arg10 : memref<!tpu.dma_semaphore, #tpu.memory_space<semaphore_mem>>)
    %dma_start3A_24 = arith.constant 2 : i32
    %dma_start3A_25 = arith.constant 0 : i32
    %dma_start3A_26 = arith.constant 0 : i32
    %dma_start3A_27 = arith.constant 0 : i32
    %dma_start3A_28 = tpu.memref_slice %arg9[%dma_start3A_26, %dma_start3A_27] : memref<512x64xf32, #tpu.memory_space<vmem>> -> memref<128x64xf32, #tpu.memory_space<vmem>>
    %dma_start3A_29 = arith.constant 0 : i32
    %dma_start3A_30 = tpu.memref_slice %arg6[%dma_start3A_24, %dma_start3A_25, %dma_start3A_29] : memref<3x4x128xi32, #tpu.memory_space<vmem>> -> memref<1x1x128xi32, #tpu.memory_space<vmem>>
    %dma_start3A_31 = tpu.memref_squeeze %dma_start3A_30 : memref<1x1x128xi32, #tpu.memory_space<vmem>> -> memref<128xi32, #tpu.memory_space<vmem>>
    %dma_start3A_32 = arith.constant 0 : i32
    %dma_start3A_33 = arith.constant 0 : i32
    %dma_start3A_34 = tpu.memref_slice %arg2[%dma_start3A_32, %dma_start3A_33] : memref<1000000x64xf32, #tpu.memory_space<hbm>> -> memref<1000000x64xf32, #tpu.memory_space<hbm>>
    tpu.enqueue_indirect_dma source(%dma_start3A_34 : memref<1000000x64xf32, #tpu.memory_space<hbm>>) target(%dma_start3A_28 : memref<128x64xf32, #tpu.memory_space<vmem>>) offsets(%dma_start3A_31 : memref<128xi32, #tpu.memory_space<vmem>>) semaphore(%arg10 : memref<!tpu.dma_semaphore, #tpu.memory_space<semaphore_mem>>)
    %dma_start3A_35 = arith.constant 0 : i32
    %dma_start3A_36 = arith.constant 1 : i32
    %dma_start3A_37 = arith.constant 128 : i32
    %dma_start3A_38 = arith.constant 0 : i32
    %dma_start3A_39 = tpu.memref_slice %arg7[%dma_start3A_37, %dma_start3A_38] : memref<512x64xf32, #tpu.memory_space<vmem>> -> memref<128x64xf32, #tpu.memory_space<vmem>>
    %dma_start3A_40 = arith.constant 0 : i32
    %dma_start3A_41 = tpu.memref_slice %arg6[%dma_start3A_35, %dma_start3A_36, %dma_start3A_40] : memref<3x4x128xi32, #tpu.memory_space<vmem>> -> memref<1x1x128xi32, #tpu.memory_space<vmem>>
    %dma_start3A_42 = tpu.memref_squeeze %dma_start3A_41 : memref<1x1x128xi32, #tpu.memory_space<vmem>> -> memref<128xi32, #tpu.memory_space<vmem>>
    %dma_start3A_43 = arith.constant 0 : i32
    %dma_start3A_44 = arith.constant 0 : i32
    %dma_start3A_45 = tpu.memref_slice %arg2[%dma_start3A_43, %dma_start3A_44] : memref<1000000x64xf32, #tpu.memory_space<hbm>> -> memref<1000000x64xf32, #tpu.memory_space<hbm>>
    tpu.enqueue_indirect_dma source(%dma_start3A_45 : memref<1000000x64xf32, #tpu.memory_space<hbm>>) target(%dma_start3A_39 : memref<128x64xf32, #tpu.memory_space<vmem>>) offsets(%dma_start3A_42 : memref<128xi32, #tpu.memory_space<vmem>>) semaphore(%arg10 : memref<!tpu.dma_semaphore, #tpu.memory_space<semaphore_mem>>)
    %dma_start3A_46 = arith.constant 1 : i32
    %dma_start3A_47 = arith.constant 1 : i32
    %dma_start3A_48 = arith.constant 128 : i32
    %dma_start3A_49 = arith.constant 0 : i32
    %dma_start3A_50 = tpu.memref_slice %arg8[%dma_start3A_48, %dma_start3A_49] : memref<512x64xf32, #tpu.memory_space<vmem>> -> memref<128x64xf32, #tpu.memory_space<vmem>>
    %dma_start3A_51 = arith.constant 0 : i32
    %dma_start3A_52 = tpu.memref_slice %arg6[%dma_start3A_46, %dma_start3A_47, %dma_start3A_51] : memref<3x4x128xi32, #tpu.memory_space<vmem>> -> memref<1x1x128xi32, #tpu.memory_space<vmem>>
    %dma_start3A_53 = tpu.memref_squeeze %dma_start3A_52 : memref<1x1x128xi32, #tpu.memory_space<vmem>> -> memref<128xi32, #tpu.memory_space<vmem>>
    %dma_start3A_54 = arith.constant 0 : i32
    %dma_start3A_55 = arith.constant 0 : i32
    %dma_start3A_56 = tpu.memref_slice %arg3[%dma_start3A_54, %dma_start3A_55] : memref<1000x64xf32, #tpu.memory_space<hbm>> -> memref<1000x64xf32, #tpu.memory_space<hbm>>
    tpu.enqueue_indirect_dma source(%dma_start3A_56 : memref<1000x64xf32, #tpu.memory_space<hbm>>) target(%dma_start3A_50 : memref<128x64xf32, #tpu.memory_space<vmem>>) offsets(%dma_start3A_53 : memref<128xi32, #tpu.memory_space<vmem>>) semaphore(%arg10 : memref<!tpu.dma_semaphore, #tpu.memory_space<semaphore_mem>>)
    %dma_start3A_57 = arith.constant 2 : i32
    %dma_start3A_58 = arith.constant 1 : i32
    %dma_start3A_59 = arith.constant 128 : i32
    %dma_start3A_60 = arith.constant 0 : i32
    %dma_start3A_61 = tpu.memref_slice %arg9[%dma_start3A_59, %dma_start3A_60] : memref<512x64xf32, #tpu.memory_space<vmem>> -> memref<128x64xf32, #tpu.memory_space<vmem>>
    %dma_start3A_62 = arith.constant 0 : i32
    %dma_start3A_63 = tpu.memref_slice %arg6[%dma_start3A_57, %dma_start3A_58, %dma_start3A_62] : memref<3x4x128xi32, #tpu.memory_space<vmem>> -> memref<1x1x128xi32, #tpu.memory_space<vmem>>
    %dma_start3A_64 = tpu.memref_squeeze %dma_start3A_63 : memref<1x1x128xi32, #tpu.memory_space<vmem>> -> memref<128xi32, #tpu.memory_space<vmem>>
    %dma_start3A_65 = arith.constant 0 : i32
    %dma_start3A_66 = arith.constant 0 : i32
    %dma_start3A_67 = tpu.memref_slice %arg2[%dma_start3A_65, %dma_start3A_66] : memref<1000000x64xf32, #tpu.memory_space<hbm>> -> memref<1000000x64xf32, #tpu.memory_space<hbm>>
    tpu.enqueue_indirect_dma source(%dma_start3A_67 : memref<1000000x64xf32, #tpu.memory_space<hbm>>) target(%dma_start3A_61 : memref<128x64xf32, #tpu.memory_space<vmem>>) offsets(%dma_start3A_64 : memref<128xi32, #tpu.memory_space<vmem>>) semaphore(%arg10 : memref<!tpu.dma_semaphore, #tpu.memory_space<semaphore_mem>>)
    %dma_start3A_68 = arith.constant 0 : i32
    %dma_start3A_69 = arith.constant 2 : i32
    %dma_start3A_70 = arith.constant 256 : i32
    %dma_start3A_71 = arith.constant 0 : i32
    %dma_start3A_72 = tpu.memref_slice %arg7[%dma_start3A_70, %dma_start3A_71] : memref<512x64xf32, #tpu.memory_space<vmem>> -> memref<128x64xf32, #tpu.memory_space<vmem>>
    %dma_start3A_73 = arith.constant 0 : i32
    %dma_start3A_74 = tpu.memref_slice %arg6[%dma_start3A_68, %dma_start3A_69, %dma_start3A_73] : memref<3x4x128xi32, #tpu.memory_space<vmem>> -> memref<1x1x128xi32, #tpu.memory_space<vmem>>
    %dma_start3A_75 = tpu.memref_squeeze %dma_start3A_74 : memref<1x1x128xi32, #tpu.memory_space<vmem>> -> memref<128xi32, #tpu.memory_space<vmem>>
    %dma_start3A_76 = arith.constant 0 : i32
    %dma_start3A_77 = arith.constant 0 : i32
    %dma_start3A_78 = tpu.memref_slice %arg2[%dma_start3A_76, %dma_start3A_77] : memref<1000000x64xf32, #tpu.memory_space<hbm>> -> memref<1000000x64xf32, #tpu.memory_space<hbm>>
    tpu.enqueue_indirect_dma source(%dma_start3A_78 : memref<1000000x64xf32, #tpu.memory_space<hbm>>) target(%dma_start3A_72 : memref<128x64xf32, #tpu.memory_space<vmem>>) offsets(%dma_start3A_75 : memref<128xi32, #tpu.memory_space<vmem>>) semaphore(%arg10 : memref<!tpu.dma_semaphore, #tpu.memory_space<semaphore_mem>>)
    %dma_start3A_79 = arith.constant 1 : i32
    %dma_start3A_80 = arith.constant 2 : i32
    %dma_start3A_81 = arith.constant 256 : i32
    %dma_start3A_82 = arith.constant 0 : i32
    %dma_start3A_83 = tpu.memref_slice %arg8[%dma_start3A_81, %dma_start3A_82] : memref<512x64xf32, #tpu.memory_space<vmem>> -> memref<128x64xf32, #tpu.memory_space<vmem>>
    %dma_start3A_84 = arith.constant 0 : i32
    %dma_start3A_85 = tpu.memref_slice %arg6[%dma_start3A_79, %dma_start3A_80, %dma_start3A_84] : memref<3x4x128xi32, #tpu.memory_space<vmem>> -> memref<1x1x128xi32, #tpu.memory_space<vmem>>
    %dma_start3A_86 = tpu.memref_squeeze %dma_start3A_85 : memref<1x1x128xi32, #tpu.memory_space<vmem>> -> memref<128xi32, #tpu.memory_space<vmem>>
    %dma_start3A_87 = arith.constant 0 : i32
    %dma_start3A_88 = arith.constant 0 : i32
    %dma_start3A_89 = tpu.memref_slice %arg3[%dma_start3A_87, %dma_start3A_88] : memref<1000x64xf32, #tpu.memory_space<hbm>> -> memref<1000x64xf32, #tpu.memory_space<hbm>>
    tpu.enqueue_indirect_dma source(%dma_start3A_89 : memref<1000x64xf32, #tpu.memory_space<hbm>>) target(%dma_start3A_83 : memref<128x64xf32, #tpu.memory_space<vmem>>) offsets(%dma_start3A_86 : memref<128xi32, #tpu.memory_space<vmem>>) semaphore(%arg10 : memref<!tpu.dma_semaphore, #tpu.memory_space<semaphore_mem>>)
    %dma_start3A_90 = arith.constant 2 : i32
    %dma_start3A_91 = arith.constant 2 : i32
    %dma_start3A_92 = arith.constant 256 : i32
    %dma_start3A_93 = arith.constant 0 : i32
    %dma_start3A_94 = tpu.memref_slice %arg9[%dma_start3A_92, %dma_start3A_93] : memref<512x64xf32, #tpu.memory_space<vmem>> -> memref<128x64xf32, #tpu.memory_space<vmem>>
    %dma_start3A_95 = arith.constant 0 : i32
    %dma_start3A_96 = tpu.memref_slice %arg6[%dma_start3A_90, %dma_start3A_91, %dma_start3A_95] : memref<3x4x128xi32, #tpu.memory_space<vmem>> -> memref<1x1x128xi32, #tpu.memory_space<vmem>>
    %dma_start3A_97 = tpu.memref_squeeze %dma_start3A_96 : memref<1x1x128xi32, #tpu.memory_space<vmem>> -> memref<128xi32, #tpu.memory_space<vmem>>
    %dma_start3A_98 = arith.constant 0 : i32
    %dma_start3A_99 = arith.constant 0 : i32
    %dma_start3A_100 = tpu.memref_slice %arg2[%dma_start3A_98, %dma_start3A_99] : memref<1000000x64xf32, #tpu.memory_space<hbm>> -> memref<1000000x64xf32, #tpu.memory_space<hbm>>
    tpu.enqueue_indirect_dma source(%dma_start3A_100 : memref<1000000x64xf32, #tpu.memory_space<hbm>>) target(%dma_start3A_94 : memref<128x64xf32, #tpu.memory_space<vmem>>) offsets(%dma_start3A_97 : memref<128xi32, #tpu.memory_space<vmem>>) semaphore(%arg10 : memref<!tpu.dma_semaphore, #tpu.memory_space<semaphore_mem>>)
    %dma_start3A_101 = arith.constant 0 : i32
    %dma_start3A_102 = arith.constant 3 : i32
    %dma_start3A_103 = arith.constant 384 : i32
    %dma_start3A_104 = arith.constant 0 : i32
    %dma_start3A_105 = tpu.memref_slice %arg7[%dma_start3A_103, %dma_start3A_104] : memref<512x64xf32, #tpu.memory_space<vmem>> -> memref<128x64xf32, #tpu.memory_space<vmem>>
    %dma_start3A_106 = arith.constant 0 : i32
    %dma_start3A_107 = tpu.memref_slice %arg6[%dma_start3A_101, %dma_start3A_102, %dma_start3A_106] : memref<3x4x128xi32, #tpu.memory_space<vmem>> -> memref<1x1x128xi32, #tpu.memory_space<vmem>>
    %dma_start3A_108 = tpu.memref_squeeze %dma_start3A_107 : memref<1x1x128xi32, #tpu.memory_space<vmem>> -> memref<128xi32, #tpu.memory_space<vmem>>
    %dma_start3A_109 = arith.constant 0 : i32
    %dma_start3A_110 = arith.constant 0 : i32
    %dma_start3A_111 = tpu.memref_slice %arg2[%dma_start3A_109, %dma_start3A_110] : memref<1000000x64xf32, #tpu.memory_space<hbm>> -> memref<1000000x64xf32, #tpu.memory_space<hbm>>
    tpu.enqueue_indirect_dma source(%dma_start3A_111 : memref<1000000x64xf32, #tpu.memory_space<hbm>>) target(%dma_start3A_105 : memref<128x64xf32, #tpu.memory_space<vmem>>) offsets(%dma_start3A_108 : memref<128xi32, #tpu.memory_space<vmem>>) semaphore(%arg10 : memref<!tpu.dma_semaphore, #tpu.memory_space<semaphore_mem>>)
    %dma_start3A_112 = arith.constant 1 : i32
    %dma_start3A_113 = arith.constant 3 : i32
    %dma_start3A_114 = arith.constant 384 : i32
    %dma_start3A_115 = arith.constant 0 : i32
    %dma_start3A_116 = tpu.memref_slice %arg8[%dma_start3A_114, %dma_start3A_115] : memref<512x64xf32, #tpu.memory_space<vmem>> -> memref<128x64xf32, #tpu.memory_space<vmem>>
    %dma_start3A_117 = arith.constant 0 : i32
    %dma_start3A_118 = tpu.memref_slice %arg6[%dma_start3A_112, %dma_start3A_113, %dma_start3A_117] : memref<3x4x128xi32, #tpu.memory_space<vmem>> -> memref<1x1x128xi32, #tpu.memory_space<vmem>>
    %dma_start3A_119 = tpu.memref_squeeze %dma_start3A_118 : memref<1x1x128xi32, #tpu.memory_space<vmem>> -> memref<128xi32, #tpu.memory_space<vmem>>
    %dma_start3A_120 = arith.constant 0 : i32
    %dma_start3A_121 = arith.constant 0 : i32
    %dma_start3A_122 = tpu.memref_slice %arg3[%dma_start3A_120, %dma_start3A_121] : memref<1000x64xf32, #tpu.memory_space<hbm>> -> memref<1000x64xf32, #tpu.memory_space<hbm>>
    tpu.enqueue_indirect_dma source(%dma_start3A_122 : memref<1000x64xf32, #tpu.memory_space<hbm>>) target(%dma_start3A_116 : memref<128x64xf32, #tpu.memory_space<vmem>>) offsets(%dma_start3A_119 : memref<128xi32, #tpu.memory_space<vmem>>) semaphore(%arg10 : memref<!tpu.dma_semaphore, #tpu.memory_space<semaphore_mem>>)
    %dma_start3A_123 = arith.constant 2 : i32
    %dma_start3A_124 = arith.constant 3 : i32
    %dma_start3A_125 = arith.constant 384 : i32
    %dma_start3A_126 = arith.constant 0 : i32
    %dma_start3A_127 = tpu.memref_slice %arg9[%dma_start3A_125, %dma_start3A_126] : memref<512x64xf32, #tpu.memory_space<vmem>> -> memref<128x64xf32, #tpu.memory_space<vmem>>
    %dma_start3A_128 = arith.constant 0 : i32
    %dma_start3A_129 = tpu.memref_slice %arg6[%dma_start3A_123, %dma_start3A_124, %dma_start3A_128] : memref<3x4x128xi32, #tpu.memory_space<vmem>> -> memref<1x1x128xi32, #tpu.memory_space<vmem>>
    %dma_start3A_130 = tpu.memref_squeeze %dma_start3A_129 : memref<1x1x128xi32, #tpu.memory_space<vmem>> -> memref<128xi32, #tpu.memory_space<vmem>>
    %dma_start3A_131 = arith.constant 0 : i32
    %dma_start3A_132 = arith.constant 0 : i32
    %dma_start3A_133 = tpu.memref_slice %arg2[%dma_start3A_131, %dma_start3A_132] : memref<1000000x64xf32, #tpu.memory_space<hbm>> -> memref<1000000x64xf32, #tpu.memory_space<hbm>>
    tpu.enqueue_indirect_dma source(%dma_start3A_133 : memref<1000000x64xf32, #tpu.memory_space<hbm>>) target(%dma_start3A_127 : memref<128x64xf32, #tpu.memory_space<vmem>>) offsets(%dma_start3A_130 : memref<128xi32, #tpu.memory_space<vmem>>) semaphore(%arg10 : memref<!tpu.dma_semaphore, #tpu.memory_space<semaphore_mem>>)
    %dma_wait3A = arith.constant 0 : i32
    %dma_wait3A_134 = arith.constant 0 : i32
    %dma_wait3A_135 = arith.constant 0 : i32
    %dma_wait3A_136 = arith.constant 0 : i32
    %dma_wait3A_137 = tpu.memref_slice %arg7[%dma_wait3A_135, %dma_wait3A_136] : memref<512x64xf32, #tpu.memory_space<vmem>> -> memref<128x64xf32, #tpu.memory_space<vmem>>
    %dma_wait3A_138 = arith.constant 0 : i32
    %dma_wait3A_139 = tpu.memref_slice %arg6[%dma_wait3A, %dma_wait3A_134, %dma_wait3A_138] : memref<3x4x128xi32, #tpu.memory_space<vmem>> -> memref<1x1x128xi32, #tpu.memory_space<vmem>>
    %dma_wait3A_140 = tpu.memref_squeeze %dma_wait3A_139 : memref<1x1x128xi32, #tpu.memory_space<vmem>> -> memref<128xi32, #tpu.memory_space<vmem>>
    %dma_wait3A_141 = arith.constant 0 : i32
    %dma_wait3A_142 = arith.constant 0 : i32
    %dma_wait3A_143 = tpu.memref_slice %arg2[%dma_wait3A_141, %dma_wait3A_142] : memref<1000000x64xf32, #tpu.memory_space<hbm>> -> memref<1000000x64xf32, #tpu.memory_space<hbm>>
    tpu.wait_indirect_dma semaphore(%arg10 : memref<!tpu.dma_semaphore, #tpu.memory_space<semaphore_mem>>) src(%dma_wait3A_143 : memref<1000000x64xf32, #tpu.memory_space<hbm>>) dst(%dma_wait3A_137 : memref<128x64xf32, #tpu.memory_space<vmem>>)
    %dma_wait3A_144 = arith.constant 1 : i32
    %dma_wait3A_145 = arith.constant 0 : i32
    %dma_wait3A_146 = arith.constant 0 : i32
    %dma_wait3A_147 = arith.constant 0 : i32
    %dma_wait3A_148 = tpu.memref_slice %arg8[%dma_wait3A_146, %dma_wait3A_147] : memref<512x64xf32, #tpu.memory_space<vmem>> -> memref<128x64xf32, #tpu.memory_space<vmem>>
    %dma_wait3A_149 = arith.constant 0 : i32
    %dma_wait3A_150 = tpu.memref_slice %arg6[%dma_wait3A_144, %dma_wait3A_145, %dma_wait3A_149] : memref<3x4x128xi32, #tpu.memory_space<vmem>> -> memref<1x1x128xi32, #tpu.memory_space<vmem>>
    %dma_wait3A_151 = tpu.memref_squeeze %dma_wait3A_150 : memref<1x1x128xi32, #tpu.memory_space<vmem>> -> memref<128xi32, #tpu.memory_space<vmem>>
    %dma_wait3A_152 = arith.constant 0 : i32
    %dma_wait3A_153 = arith.constant 0 : i32
    %dma_wait3A_154 = tpu.memref_slice %arg3[%dma_wait3A_152, %dma_wait3A_153] : memref<1000x64xf32, #tpu.memory_space<hbm>> -> memref<1000x64xf32, #tpu.memory_space<hbm>>
    tpu.wait_indirect_dma semaphore(%arg10 : memref<!tpu.dma_semaphore, #tpu.memory_space<semaphore_mem>>) src(%dma_wait3A_154 : memref<1000x64xf32, #tpu.memory_space<hbm>>) dst(%dma_wait3A_148 : memref<128x64xf32, #tpu.memory_space<vmem>>)
    %dma_wait3A_155 = arith.constant 2 : i32
    %dma_wait3A_156 = arith.constant 0 : i32
    %dma_wait3A_157 = arith.constant 0 : i32
    %dma_wait3A_158 = arith.constant 0 : i32
    %dma_wait3A_159 = tpu.memref_slice %arg9[%dma_wait3A_157, %dma_wait3A_158] : memref<512x64xf32, #tpu.memory_space<vmem>> -> memref<128x64xf32, #tpu.memory_space<vmem>>
    %dma_wait3A_160 = arith.constant 0 : i32
    %dma_wait3A_161 = tpu.memref_slice %arg6[%dma_wait3A_155, %dma_wait3A_156, %dma_wait3A_160] : memref<3x4x128xi32, #tpu.memory_space<vmem>> -> memref<1x1x128xi32, #tpu.memory_space<vmem>>
    %dma_wait3A_162 = tpu.memref_squeeze %dma_wait3A_161 : memref<1x1x128xi32, #tpu.memory_space<vmem>> -> memref<128xi32, #tpu.memory_space<vmem>>
    %dma_wait3A_163 = arith.constant 0 : i32
    %dma_wait3A_164 = arith.constant 0 : i32
    %dma_wait3A_165 = tpu.memref_slice %arg2[%dma_wait3A_163, %dma_wait3A_164] : memref<1000000x64xf32, #tpu.memory_space<hbm>> -> memref<1000000x64xf32, #tpu.memory_space<hbm>>
    tpu.wait_indirect_dma semaphore(%arg10 : memref<!tpu.dma_semaphore, #tpu.memory_space<semaphore_mem>>) src(%dma_wait3A_165 : memref<1000000x64xf32, #tpu.memory_space<hbm>>) dst(%dma_wait3A_159 : memref<128x64xf32, #tpu.memory_space<vmem>>)
    %dma_wait3A_166 = arith.constant 0 : i32
    %dma_wait3A_167 = arith.constant 1 : i32
    %dma_wait3A_168 = arith.constant 128 : i32
    %dma_wait3A_169 = arith.constant 0 : i32
    %dma_wait3A_170 = tpu.memref_slice %arg7[%dma_wait3A_168, %dma_wait3A_169] : memref<512x64xf32, #tpu.memory_space<vmem>> -> memref<128x64xf32, #tpu.memory_space<vmem>>
    %dma_wait3A_171 = arith.constant 0 : i32
    %dma_wait3A_172 = tpu.memref_slice %arg6[%dma_wait3A_166, %dma_wait3A_167, %dma_wait3A_171] : memref<3x4x128xi32, #tpu.memory_space<vmem>> -> memref<1x1x128xi32, #tpu.memory_space<vmem>>
    %dma_wait3A_173 = tpu.memref_squeeze %dma_wait3A_172 : memref<1x1x128xi32, #tpu.memory_space<vmem>> -> memref<128xi32, #tpu.memory_space<vmem>>
    %dma_wait3A_174 = arith.constant 0 : i32
    %dma_wait3A_175 = arith.constant 0 : i32
    %dma_wait3A_176 = tpu.memref_slice %arg2[%dma_wait3A_174, %dma_wait3A_175] : memref<1000000x64xf32, #tpu.memory_space<hbm>> -> memref<1000000x64xf32, #tpu.memory_space<hbm>>
    tpu.wait_indirect_dma semaphore(%arg10 : memref<!tpu.dma_semaphore, #tpu.memory_space<semaphore_mem>>) src(%dma_wait3A_176 : memref<1000000x64xf32, #tpu.memory_space<hbm>>) dst(%dma_wait3A_170 : memref<128x64xf32, #tpu.memory_space<vmem>>)
    %dma_wait3A_177 = arith.constant 1 : i32
    %dma_wait3A_178 = arith.constant 1 : i32
    %dma_wait3A_179 = arith.constant 128 : i32
    %dma_wait3A_180 = arith.constant 0 : i32
    %dma_wait3A_181 = tpu.memref_slice %arg8[%dma_wait3A_179, %dma_wait3A_180] : memref<512x64xf32, #tpu.memory_space<vmem>> -> memref<128x64xf32, #tpu.memory_space<vmem>>
    %dma_wait3A_182 = arith.constant 0 : i32
    %dma_wait3A_183 = tpu.memref_slice %arg6[%dma_wait3A_177, %dma_wait3A_178, %dma_wait3A_182] : memref<3x4x128xi32, #tpu.memory_space<vmem>> -> memref<1x1x128xi32, #tpu.memory_space<vmem>>
    %dma_wait3A_184 = tpu.memref_squeeze %dma_wait3A_183 : memref<1x1x128xi32, #tpu.memory_space<vmem>> -> memref<128xi32, #tpu.memory_space<vmem>>
    %dma_wait3A_185 = arith.constant 0 : i32
    %dma_wait3A_186 = arith.constant 0 : i32
    %dma_wait3A_187 = tpu.memref_slice %arg3[%dma_wait3A_185, %dma_wait3A_186] : memref<1000x64xf32, #tpu.memory_space<hbm>> -> memref<1000x64xf32, #tpu.memory_space<hbm>>
    tpu.wait_indirect_dma semaphore(%arg10 : memref<!tpu.dma_semaphore, #tpu.memory_space<semaphore_mem>>) src(%dma_wait3A_187 : memref<1000x64xf32, #tpu.memory_space<hbm>>) dst(%dma_wait3A_181 : memref<128x64xf32, #tpu.memory_space<vmem>>)
    %dma_wait3A_188 = arith.constant 2 : i32
    %dma_wait3A_189 = arith.constant 1 : i32
    %dma_wait3A_190 = arith.constant 128 : i32
    %dma_wait3A_191 = arith.constant 0 : i32
    %dma_wait3A_192 = tpu.memref_slice %arg9[%dma_wait3A_190, %dma_wait3A_191] : memref<512x64xf32, #tpu.memory_space<vmem>> -> memref<128x64xf32, #tpu.memory_space<vmem>>
    %dma_wait3A_193 = arith.constant 0 : i32
    %dma_wait3A_194 = tpu.memref_slice %arg6[%dma_wait3A_188, %dma_wait3A_189, %dma_wait3A_193] : memref<3x4x128xi32, #tpu.memory_space<vmem>> -> memref<1x1x128xi32, #tpu.memory_space<vmem>>
    %dma_wait3A_195 = tpu.memref_squeeze %dma_wait3A_194 : memref<1x1x128xi32, #tpu.memory_space<vmem>> -> memref<128xi32, #tpu.memory_space<vmem>>
    %dma_wait3A_196 = arith.constant 0 : i32
    %dma_wait3A_197 = arith.constant 0 : i32
    %dma_wait3A_198 = tpu.memref_slice %arg2[%dma_wait3A_196, %dma_wait3A_197] : memref<1000000x64xf32, #tpu.memory_space<hbm>> -> memref<1000000x64xf32, #tpu.memory_space<hbm>>
    tpu.wait_indirect_dma semaphore(%arg10 : memref<!tpu.dma_semaphore, #tpu.memory_space<semaphore_mem>>) src(%dma_wait3A_198 : memref<1000000x64xf32, #tpu.memory_space<hbm>>) dst(%dma_wait3A_192 : memref<128x64xf32, #tpu.memory_space<vmem>>)
    %dma_wait3A_199 = arith.constant 0 : i32
    %dma_wait3A_200 = arith.constant 2 : i32
    %dma_wait3A_201 = arith.constant 256 : i32
    %dma_wait3A_202 = arith.constant 0 : i32
    %dma_wait3A_203 = tpu.memref_slice %arg7[%dma_wait3A_201, %dma_wait3A_202] : memref<512x64xf32, #tpu.memory_space<vmem>> -> memref<128x64xf32, #tpu.memory_space<vmem>>
    %dma_wait3A_204 = arith.constant 0 : i32
    %dma_wait3A_205 = tpu.memref_slice %arg6[%dma_wait3A_199, %dma_wait3A_200, %dma_wait3A_204] : memref<3x4x128xi32, #tpu.memory_space<vmem>> -> memref<1x1x128xi32, #tpu.memory_space<vmem>>
    %dma_wait3A_206 = tpu.memref_squeeze %dma_wait3A_205 : memref<1x1x128xi32, #tpu.memory_space<vmem>> -> memref<128xi32, #tpu.memory_space<vmem>>
    %dma_wait3A_207 = arith.constant 0 : i32
    %dma_wait3A_208 = arith.constant 0 : i32
    %dma_wait3A_209 = tpu.memref_slice %arg2[%dma_wait3A_207, %dma_wait3A_208] : memref<1000000x64xf32, #tpu.memory_space<hbm>> -> memref<1000000x64xf32, #tpu.memory_space<hbm>>
    tpu.wait_indirect_dma semaphore(%arg10 : memref<!tpu.dma_semaphore, #tpu.memory_space<semaphore_mem>>) src(%dma_wait3A_209 : memref<1000000x64xf32, #tpu.memory_space<hbm>>) dst(%dma_wait3A_203 : memref<128x64xf32, #tpu.memory_space<vmem>>)
    %dma_wait3A_210 = arith.constant 1 : i32
    %dma_wait3A_211 = arith.constant 2 : i32
    %dma_wait3A_212 = arith.constant 256 : i32
    %dma_wait3A_213 = arith.constant 0 : i32
    %dma_wait3A_214 = tpu.memref_slice %arg8[%dma_wait3A_212, %dma_wait3A_213] : memref<512x64xf32, #tpu.memory_space<vmem>> -> memref<128x64xf32, #tpu.memory_space<vmem>>
    %dma_wait3A_215 = arith.constant 0 : i32
    %dma_wait3A_216 = tpu.memref_slice %arg6[%dma_wait3A_210, %dma_wait3A_211, %dma_wait3A_215] : memref<3x4x128xi32, #tpu.memory_space<vmem>> -> memref<1x1x128xi32, #tpu.memory_space<vmem>>
    %dma_wait3A_217 = tpu.memref_squeeze %dma_wait3A_216 : memref<1x1x128xi32, #tpu.memory_space<vmem>> -> memref<128xi32, #tpu.memory_space<vmem>>
    %dma_wait3A_218 = arith.constant 0 : i32
    %dma_wait3A_219 = arith.constant 0 : i32
    %dma_wait3A_220 = tpu.memref_slice %arg3[%dma_wait3A_218, %dma_wait3A_219] : memref<1000x64xf32, #tpu.memory_space<hbm>> -> memref<1000x64xf32, #tpu.memory_space<hbm>>
    tpu.wait_indirect_dma semaphore(%arg10 : memref<!tpu.dma_semaphore, #tpu.memory_space<semaphore_mem>>) src(%dma_wait3A_220 : memref<1000x64xf32, #tpu.memory_space<hbm>>) dst(%dma_wait3A_214 : memref<128x64xf32, #tpu.memory_space<vmem>>)
    %dma_wait3A_221 = arith.constant 2 : i32
    %dma_wait3A_222 = arith.constant 2 : i32
    %dma_wait3A_223 = arith.constant 256 : i32
    %dma_wait3A_224 = arith.constant 0 : i32
    %dma_wait3A_225 = tpu.memref_slice %arg9[%dma_wait3A_223, %dma_wait3A_224] : memref<512x64xf32, #tpu.memory_space<vmem>> -> memref<128x64xf32, #tpu.memory_space<vmem>>
    %dma_wait3A_226 = arith.constant 0 : i32
    %dma_wait3A_227 = tpu.memref_slice %arg6[%dma_wait3A_221, %dma_wait3A_222, %dma_wait3A_226] : memref<3x4x128xi32, #tpu.memory_space<vmem>> -> memref<1x1x128xi32, #tpu.memory_space<vmem>>
    %dma_wait3A_228 = tpu.memref_squeeze %dma_wait3A_227 : memref<1x1x128xi32, #tpu.memory_space<vmem>> -> memref<128xi32, #tpu.memory_space<vmem>>
    %dma_wait3A_229 = arith.constant 0 : i32
    %dma_wait3A_230 = arith.constant 0 : i32
    %dma_wait3A_231 = tpu.memref_slice %arg2[%dma_wait3A_229, %dma_wait3A_230] : memref<1000000x64xf32, #tpu.memory_space<hbm>> -> memref<1000000x64xf32, #tpu.memory_space<hbm>>
    tpu.wait_indirect_dma semaphore(%arg10 : memref<!tpu.dma_semaphore, #tpu.memory_space<semaphore_mem>>) src(%dma_wait3A_231 : memref<1000000x64xf32, #tpu.memory_space<hbm>>) dst(%dma_wait3A_225 : memref<128x64xf32, #tpu.memory_space<vmem>>)
    %dma_wait3A_232 = arith.constant 0 : i32
    %dma_wait3A_233 = arith.constant 3 : i32
    %dma_wait3A_234 = arith.constant 384 : i32
    %dma_wait3A_235 = arith.constant 0 : i32
    %dma_wait3A_236 = tpu.memref_slice %arg7[%dma_wait3A_234, %dma_wait3A_235] : memref<512x64xf32, #tpu.memory_space<vmem>> -> memref<128x64xf32, #tpu.memory_space<vmem>>
    %dma_wait3A_237 = arith.constant 0 : i32
    %dma_wait3A_238 = tpu.memref_slice %arg6[%dma_wait3A_232, %dma_wait3A_233, %dma_wait3A_237] : memref<3x4x128xi32, #tpu.memory_space<vmem>> -> memref<1x1x128xi32, #tpu.memory_space<vmem>>
    %dma_wait3A_239 = tpu.memref_squeeze %dma_wait3A_238 : memref<1x1x128xi32, #tpu.memory_space<vmem>> -> memref<128xi32, #tpu.memory_space<vmem>>
    %dma_wait3A_240 = arith.constant 0 : i32
    %dma_wait3A_241 = arith.constant 0 : i32
    %dma_wait3A_242 = tpu.memref_slice %arg2[%dma_wait3A_240, %dma_wait3A_241] : memref<1000000x64xf32, #tpu.memory_space<hbm>> -> memref<1000000x64xf32, #tpu.memory_space<hbm>>
    tpu.wait_indirect_dma semaphore(%arg10 : memref<!tpu.dma_semaphore, #tpu.memory_space<semaphore_mem>>) src(%dma_wait3A_242 : memref<1000000x64xf32, #tpu.memory_space<hbm>>) dst(%dma_wait3A_236 : memref<128x64xf32, #tpu.memory_space<vmem>>)
    %dma_wait3A_243 = arith.constant 1 : i32
    %dma_wait3A_244 = arith.constant 3 : i32
    %dma_wait3A_245 = arith.constant 384 : i32
    %dma_wait3A_246 = arith.constant 0 : i32
    %dma_wait3A_247 = tpu.memref_slice %arg8[%dma_wait3A_245, %dma_wait3A_246] : memref<512x64xf32, #tpu.memory_space<vmem>> -> memref<128x64xf32, #tpu.memory_space<vmem>>
    %dma_wait3A_248 = arith.constant 0 : i32
    %dma_wait3A_249 = tpu.memref_slice %arg6[%dma_wait3A_243, %dma_wait3A_244, %dma_wait3A_248] : memref<3x4x128xi32, #tpu.memory_space<vmem>> -> memref<1x1x128xi32, #tpu.memory_space<vmem>>
    %dma_wait3A_250 = tpu.memref_squeeze %dma_wait3A_249 : memref<1x1x128xi32, #tpu.memory_space<vmem>> -> memref<128xi32, #tpu.memory_space<vmem>>
    %dma_wait3A_251 = arith.constant 0 : i32
    %dma_wait3A_252 = arith.constant 0 : i32
    %dma_wait3A_253 = tpu.memref_slice %arg3[%dma_wait3A_251, %dma_wait3A_252] : memref<1000x64xf32, #tpu.memory_space<hbm>> -> memref<1000x64xf32, #tpu.memory_space<hbm>>
    tpu.wait_indirect_dma semaphore(%arg10 : memref<!tpu.dma_semaphore, #tpu.memory_space<semaphore_mem>>) src(%dma_wait3A_253 : memref<1000x64xf32, #tpu.memory_space<hbm>>) dst(%dma_wait3A_247 : memref<128x64xf32, #tpu.memory_space<vmem>>)
    %dma_wait3A_254 = arith.constant 2 : i32
    %dma_wait3A_255 = arith.constant 3 : i32
    %dma_wait3A_256 = arith.constant 384 : i32
    %dma_wait3A_257 = arith.constant 0 : i32
    %dma_wait3A_258 = tpu.memref_slice %arg9[%dma_wait3A_256, %dma_wait3A_257] : memref<512x64xf32, #tpu.memory_space<vmem>> -> memref<128x64xf32, #tpu.memory_space<vmem>>
    %dma_wait3A_259 = arith.constant 0 : i32
    %dma_wait3A_260 = tpu.memref_slice %arg6[%dma_wait3A_254, %dma_wait3A_255, %dma_wait3A_259] : memref<3x4x128xi32, #tpu.memory_space<vmem>> -> memref<1x1x128xi32, #tpu.memory_space<vmem>>
    %dma_wait3A_261 = tpu.memref_squeeze %dma_wait3A_260 : memref<1x1x128xi32, #tpu.memory_space<vmem>> -> memref<128xi32, #tpu.memory_space<vmem>>
    %dma_wait3A_262 = arith.constant 0 : i32
    %dma_wait3A_263 = arith.constant 0 : i32
    %dma_wait3A_264 = tpu.memref_slice %arg2[%dma_wait3A_262, %dma_wait3A_263] : memref<1000000x64xf32, #tpu.memory_space<hbm>> -> memref<1000000x64xf32, #tpu.memory_space<hbm>>
    tpu.wait_indirect_dma semaphore(%arg10 : memref<!tpu.dma_semaphore, #tpu.memory_space<semaphore_mem>>) src(%dma_wait3A_264 : memref<1000000x64xf32, #tpu.memory_space<hbm>>) dst(%dma_wait3A_258 : memref<128x64xf32, #tpu.memory_space<vmem>>)
    "tpu.region"() ({
      %run_scoped3A = tpu.sem_alloc : memref<!tpu.dma_semaphore, #tpu.memory_space<semaphore_mem>>
      %dma_start3A_265 = arith.constant 0 : i32
      %dma_start3A_266 = tpu.memref_slice %arg5[%mul3A_2, %dma_start3A_265] : memref<16384x192xf32, #tpu.memory_space<hbm>> -> memref<512x64xf32, #tpu.memory_space<hbm>>
      %dma_start3A_267 = arith.constant 0 : i32
      %dma_start3A_268 = tpu.memref_slice %arg5[%mul3A_2, %dma_start3A_267] : memref<16384x192xf32, #tpu.memory_space<hbm>> -> memref<512x64xf32, #tpu.memory_space<hbm>>
      tpu.enqueue_dma source(%arg7 : memref<512x64xf32, #tpu.memory_space<vmem>>) target(%dma_start3A_268 : memref<512x64xf32, #tpu.memory_space<hbm>>) target_semaphore(%run_scoped3A : memref<!tpu.dma_semaphore, #tpu.memory_space<semaphore_mem>>)
      %dma_wait3A_269 = arith.constant 0 : i32
      %dma_wait3A_270 = tpu.memref_slice %arg5[%mul3A_2, %dma_wait3A_269] : memref<16384x192xf32, #tpu.memory_space<hbm>> -> memref<512x64xf32, #tpu.memory_space<hbm>>
      %dma_wait3A_271 = arith.constant 0 : i32
      %dma_wait3A_272 = tpu.memref_slice %arg5[%mul3A_2, %dma_wait3A_271] : memref<16384x192xf32, #tpu.memory_space<hbm>> -> memref<512x64xf32, #tpu.memory_space<hbm>>
      tpu.wait_dma2 semaphore(%run_scoped3A : memref<!tpu.dma_semaphore, #tpu.memory_space<semaphore_mem>>) src(%arg7 : memref<512x64xf32, #tpu.memory_space<vmem>>) dst(%dma_wait3A_272 : memref<512x64xf32, #tpu.memory_space<hbm>>)
      tpu.yield
    }) : () -> ()
    "tpu.region"() ({
      %run_scoped3A = tpu.sem_alloc : memref<!tpu.dma_semaphore, #tpu.memory_space<semaphore_mem>>
      %dma_start3A_265 = arith.constant 64 : i32
      %dma_start3A_266 = tpu.memref_slice %arg5[%mul3A_2, %dma_start3A_265] : memref<16384x192xf32, #tpu.memory_space<hbm>> -> memref<512x64xf32, #tpu.memory_space<hbm>>
      %dma_start3A_267 = arith.constant 64 : i32
      %dma_start3A_268 = tpu.memref_slice %arg5[%mul3A_2, %dma_start3A_267] : memref<16384x192xf32, #tpu.memory_space<hbm>> -> memref<512x64xf32, #tpu.memory_space<hbm>>
      tpu.enqueue_dma source(%arg8 : memref<512x64xf32, #tpu.memory_space<vmem>>) target(%dma_start3A_268 : memref<512x64xf32, #tpu.memory_space<hbm>>) target_semaphore(%run_scoped3A : memref<!tpu.dma_semaphore, #tpu.memory_space<semaphore_mem>>)
      %dma_wait3A_269 = arith.constant 64 : i32
      %dma_wait3A_270 = tpu.memref_slice %arg5[%mul3A_2, %dma_wait3A_269] : memref<16384x192xf32, #tpu.memory_space<hbm>> -> memref<512x64xf32, #tpu.memory_space<hbm>>
      %dma_wait3A_271 = arith.constant 64 : i32
      %dma_wait3A_272 = tpu.memref_slice %arg5[%mul3A_2, %dma_wait3A_271] : memref<16384x192xf32, #tpu.memory_space<hbm>> -> memref<512x64xf32, #tpu.memory_space<hbm>>
      tpu.wait_dma2 semaphore(%run_scoped3A : memref<!tpu.dma_semaphore, #tpu.memory_space<semaphore_mem>>) src(%arg8 : memref<512x64xf32, #tpu.memory_space<vmem>>) dst(%dma_wait3A_272 : memref<512x64xf32, #tpu.memory_space<hbm>>)
      tpu.yield
    }) : () -> ()
    "tpu.region"() ({
      %run_scoped3A = tpu.sem_alloc : memref<!tpu.dma_semaphore, #tpu.memory_space<semaphore_mem>>
      %dma_start3A_265 = arith.constant 128 : i32
      %dma_start3A_266 = tpu.memref_slice %arg5[%mul3A_2, %dma_start3A_265] : memref<16384x192xf32, #tpu.memory_space<hbm>> -> memref<512x64xf32, #tpu.memory_space<hbm>>
      %dma_start3A_267 = arith.constant 128 : i32
      %dma_start3A_268 = tpu.memref_slice %arg5[%mul3A_2, %dma_start3A_267] : memref<16384x192xf32, #tpu.memory_space<hbm>> -> memref<512x64xf32, #tpu.memory_space<hbm>>
      tpu.enqueue_dma source(%arg9 : memref<512x64xf32, #tpu.memory_space<vmem>>) target(%dma_start3A_268 : memref<512x64xf32, #tpu.memory_space<hbm>>) target_semaphore(%run_scoped3A : memref<!tpu.dma_semaphore, #tpu.memory_space<semaphore_mem>>)
      %dma_wait3A_269 = arith.constant 128 : i32
      %dma_wait3A_270 = tpu.memref_slice %arg5[%mul3A_2, %dma_wait3A_269] : memref<16384x192xf32, #tpu.memory_space<hbm>> -> memref<512x64xf32, #tpu.memory_space<hbm>>
      %dma_wait3A_271 = arith.constant 128 : i32
      %dma_wait3A_272 = tpu.memref_slice %arg5[%mul3A_2, %dma_wait3A_271] : memref<16384x192xf32, #tpu.memory_space<hbm>> -> memref<512x64xf32, #tpu.memory_space<hbm>>
      tpu.wait_dma2 semaphore(%run_scoped3A : memref<!tpu.dma_semaphore, #tpu.memory_space<semaphore_mem>>) src(%arg9 : memref<512x64xf32, #tpu.memory_space<vmem>>) dst(%dma_wait3A_272 : memref<512x64xf32, #tpu.memory_space<hbm>>)
      tpu.yield
    }) : () -> ()
    return
  }
}

</mosaic_0001>

<sc_bundles>
// kernel: _run.3.cloned.1.call-start
scs
__scs_entry_jumppad:
0x0: {  	(pc) =	sbr.rel $0x88, $3  }
0x1: {  	(tag) =	ssettag $0x0;
	lr =	simm.s32 $0x1  }
0x2: {  	[smem:$0x3F9C] =	sst lr;
	_ =	strace $0xD0000000  }
0x3: {  	_ = 	snop  }
0x4: {  	_ = 	snop  }
0x5: {  	_ = 	snop  }
0x6: {  	_ = 	snop  }
0x7: {  	_ = 	snop  }
__scs_overlays_trampoline_lowered:
0x8: {  	[smem:$0x3FAB] =	sst s0  }
0x9: {  	[smem:$0x3FAC] =	sst s1  }
0xa: {  	[smem:$0x3FAD] =	sst s2  }
0xb: {  	[smem:$0x3FAE] =	sst s3  }
0xc: {  	[smem:$0x3FAF] =	sst s4  }
0xd: {  	[smem:$0x3FB0] =	sst s5  }
0xe: {  	[smem:$0x3FB1] =	sst s6  }
0xf: {  	[smem:$0x3FB2] =	sst s7  }
0x10: {  	[smem:$0x3FB3] =	sst s8  }
0x11: {  	[smem:$0x3FB4] =	sst s9;
	s0 =	simm.s32 @!p0 $0x0  }
0x12: {  	s1 =	sld [smem:$0x3F9A];
	s0 =	simm.s32 @p0 $0x1  }
0x13: {  	[smem:$0x3FB5] =	sst s0;
	s0 =	simm.s32 @!p1 $0x0  }
0x14: {  	s2 =	sld [smem:$0x3F99];
	s0 =	simm.s32 @p1 $0x1  }
0x15: {  	[smem:$0x3FB6] =	sst s0;
	s0 =	simm.s32 @!p2 $0x0  }
0x16: {  	s3 =	sld [smem:$0x3FDB];
	s0 =	simm.s32 @p2 $0x1  }
0x17: {  	s4 =	simm.s32 $0x1BF5;
	[smem:$0x3FB8] =	sst s0  }
0x18: {  	s0 =	sld [smem:$0x3F9B];
	_ =	swait.ge [sflag:s4], $0x0  }
0x19: {  	s7 =	sld [smem:$0x3F9C]  }
0x1a: {  	s8 =	sadd.s32 $0xFFFFE003, lr  }
0x1b: {  	s9 =	sadd.s32 $0xFFFFFEF7, lr;
	s5 =	simm.s32 $0xFFFFFFFF;
	p2 =	slt.u32 s8, $0xFFFFF086  }
0x1c: {  	p1 =	slt.u32 s9, $0xF7A;
	s5 =	simm.s32 @!p2 $0x0  }
0x1d: {  	s5 =	simm.s32 @p1 $0x1;
	p0 =	seq.s32 s7, s2  }
0x1e: {  	s7 =	smul.u32 @!p0 $0xF7A, s2;
	p2 =	seq.s32 @!p0 s5, $0x0  }
0x1f: {  	s9 =	smul.u32 $0xF7A, s1;
	s8 =	simm.s32 @!p0 $0x1BF5;
	p2 =	por !p2, p0  }
0x20: {  	[sflag:s8] =	ssyncset.s32 @!p0 $0xFFFFF086;
	s6 =	sadd.s32 @!p0 s3, s7;
	s7 =	simm.s32 @!p0 $0x108  }
0x21: {  	s3 =	sadd.s32 s3, s9;
	s6 =	sadd.s32 @!p0 $0x88, s6;
	s7 =	simm.s32 @p2 $0x1082  }
0x22: {  	[simem:s7], [sflag:s8] =	dma.local @!p0 [hbm:s6], $0xF7A  }
0x23: {  	s9 =	sor.u32 $0xD0000000, s2;
	s6 =	simm.s32 $0x108;
	_ =	swait.ge @!p0 [sflag:s8], $0x0  }
0x24: {  	s3 =	sadd.s32 $0x88, s3;
	s6 =	simm.s32 @!p1 $0x1082;
	[sflag:s4] =	ssyncset.s32 $0xFFFFF086  }
0x25: {  	[simem:s6], [sflag:s4] =	dma.local [hbm:s3], $0xF7A  }
0x26: {  	[smem:$0x3F9C] =	sst s1;
	(tag) =	ssettag s2;
	_ =	strace s9  }
0x27: {  	s1 =	sld [smem:$0x3FAC]  }
0x28: {  	s2 =	sld [smem:$0x3FAD]  }
0x29: {  	s4 =	sld [smem:$0x3FAF]  }
0x2a: {  	p0 =	seq.s32 s5, $0x0;
	s5 =	sld [smem:$0x3FB0]  }
0x2b: {  	s6 =	sld [smem:$0x3FB1]  }
0x2c: {  	s7 =	sld [smem:$0x3FB2]  }
0x2d: {  	s3 =	simm.s32 $0x108;
	s8 =	sld [smem:$0x3FB3]  }
0x2e: {  	s3 =	simm.s32 @!p0 $0x1082;
	s9 =	sld [smem:$0x3FB4]  }
0x2f: {  	lr =	sadd.s32 s0, s3;
	s0 =	sld [smem:$0x3FAB]  }
0x30: {  	s3 =	sld [smem:$0x3FAE]  }
0x31: {  	[smem:$0x3FB7] =	sst s10  }
0x32: {  	s10 =	sld [smem:$0x3FB5];
	_ =	sdelay $0x3  }
0x33: {  	p0 =	seq.s32 s10, $0x1;
	s10 =	sld [smem:$0x3FB7];
	_ =	sdelay $0x3  }
0x34: {  	[smem:$0x3FB7] =	sst s10  }
0x35: {  	s10 =	sld [smem:$0x3FB6];
	_ =	sdelay $0x3  }
0x36: {  	p1 =	seq.s32 s10, $0x1;
	s10 =	sld [smem:$0x3FB7];
	_ =	sdelay $0x3  }
0x37: {  	[smem:$0x3FB7] =	sst s10  }
0x38: {  	s10 =	sld [smem:$0x3FB8]  }
0x39: {  	_ = 	snop;
	(pc) =	sbr.ind lr, $3  }
0x3a: {  	_ = 	snop  }
0x3b: {  	_ = 	snop  }
0x3c: {  	p2 =	seq.s32 s10, $0x1;
	s10 =	sld [smem:$0x3FB7]  }
0x3d: {  	_ =	shalt  }
0x3e: {  	_ =	shalt  }
0x3f: {  	_ =	shalt  }
0x40: {  	_ =	shalt  }
0x41: {  	_ =	shalt  }
0x42: {  	_ =	shalt  }
0x43: {  	_ =	shalt  }
0x44: {  	_ =	shalt  }
0x45: {  	_ =	shalt  }
0x46: {  	_ =	shalt  }
0x47: {  	_ =	shalt  }
0x48: {  	_ =	shalt  }
0x49: {  	_ =	shalt  }
0x4a: {  	_ =	shalt  }
0x4b: {  	_ =	shalt  }
0x4c: {  	_ =	shalt  }
0x4d: {  	_ =	shalt  }
0x4e: {  	_ =	shalt  }
0x4f: {  	_ =	shalt  }
0x50: {  	_ =	shalt  }
0x51: {  	_ =	shalt  }
0x52: {  	_ =	shalt  }
0x53: {  	_ =	shalt  }
0x54: {  	_ =	shalt  }
0x55: {  	_ =	shalt  }
0x56: {  	_ =	shalt  }
0x57: {  	_ =	shalt  }
0x58: {  	_ =	shalt  }
0x59: {  	_ =	shalt  }
0x5a: {  	_ =	shalt  }
0x5b: {  	_ =	shalt  }
0x5c: {  	_ =	shalt  }
0x5d: {  	_ =	shalt  }
0x5e: {  	_ =	shalt  }
0x5f: {  	_ =	shalt  }
0x60: {  	_ =	shalt  }
0x61: {  	_ =	shalt  }
0x62: {  	_ =	shalt  }
0x63: {  	_ =	shalt  }
0x64: {  	_ =	shalt  }
0x65: {  	_ =	shalt  }
0x66: {  	_ =	shalt  }
0x67: {  	_ =	shalt  }
0x68: {  	_ =	shalt  }
0x69: {  	_ =	shalt  }
0x6a: {  	_ =	shalt  }
0x6b: {  	_ =	shalt  }
0x6c: {  	_ =	shalt  }
0x6d: {  	_ =	shalt  }
0x6e: {  	_ =	shalt  }
0x6f: {  	_ =	shalt  }
0x70: {  	_ =	shalt  }
0x71: {  	_ =	shalt  }
0x72: {  	_ =	shalt  }
0x73: {  	_ =	shalt  }
0x74: {  	_ =	shalt  }
0x75: {  	_ =	shalt  }
0x76: {  	_ =	shalt  }
0x77: {  	_ =	shalt  }
0x78: {  	_ =	shalt  }
0x79: {  	_ =	shalt  }
0x7a: {  	_ =	shalt  }
0x7b: {  	_ =	shalt  }
0x7c: {  	_ =	shalt  }
0x7d: {  	_ =	shalt  }
0x7e: {  	_ =	shalt  }
0x7f: {  	_ =	shalt  }
0x80: {  	_ =	shalt  }
0x81: {  	_ =	shalt  }
0x82: {  	_ =	shalt  }
0x83: {  	_ =	shalt  }
0x84: {  	_ =	shalt  }
0x85: {  	_ =	shalt  }
0x86: {  	_ =	shalt  }
0x87: {  	_ =	shalt  }
.Lfunc_end0:
.L_simem_size_0:
called_computation_lowered:
.L_overlay_start_0:
0x88: {  	s2 =	sld [smem:$0x3FD9]  }
0x89: {  	s3 =	sld [smem:$0x3FFE];
	_ =	sdelay $0x1  }
0x8a: {  	s1 =	srdreg.scid  }
0x8b: {  	s0 =	sand.u32 $0x1, s1  }
0x8c: {  	s17 =	sshll.u32 s0, $0xA;
	s2 =	sadd.s32 s3, s2  }
0x8d: {  	s2 =	sadd.s32 s2, s17  }
0x8e: {  	[smem:$0x3FC3] =	sst s2  }
0x8f: {  	_ = 	snop  }
0x90: {  	s2 =	sld [smem:$0x3FD0];
	(tm) =	ssettm $0x1  }
0x91: {  	s18 =	sld [smem:$0x3FFB];
	_ =	sdelay $0x3  }
0x92: {  	_ =	strace s18  }
0x93: {  	s3 =	sld [smem:$0x3FFC];
	_ =	sdelay $0x3  }
0x94: {  	_ =	strace s3  }
0x95: {  	s3 =	sld [smem:$0x3FFD];
	_ =	sdelay $0x3  }
0x96: {  	_ =	strace s3  }
0x97: {  	_ =	strace $0x8FFFFFFF  }
0x98: {  	s19 =	sld [smem:$0x3FDB];
	_ =	sdelay $0x1  }
0x99: {  	s4 =	simm.s32 $_scs_section_size  }
0x9a: {  	s5 =	simm.s32 $_size__tile_overlayer_lowered;
	s6 =	simm.s32 $_tile_overlayer_lowered  }
0x9b: {  	s22 =	simm.s32 $0x1BFF;
	s21 =	sshll.u32 s6, $0x1;
	s3 =	sadd.s32 s4, s19  }
0x9c: {  	s7 =	simm.s32 $0x0;
	s20 =	sshll.u32 s5, $0x1;
	s5 =	sadd.s32 s21, s3  }
0x9d: {  	[timem:s7], [sflag:s22] =	dma.local [hbm:s5], s20  }
0x9e: {  	_ =	swait.ge [sflag:s22], s20  }
0x9f: {  	s4 =	ssub.s32 $0x0, s20;
	[sflag:s22] =	ssyncset.done $0x0  }
0xa0: {  	[sflag:s22] =	ssyncadd.s32 s4;
	_ =	sdelay $0x1  }
0xa1: {  	s23 =	simm.s32 $0x1B8B  }
0xa2: {  	_ =	swait.ge [sflag:s23], $0x1  }
0xa3: {  	[sflag:s23] =	ssyncset.done $0x0  }
0xa4: {  	s25 =	simm.s32 $0x1B8E;
	s24 =	sld [smem:$0x3FFE];
	[sflag:s23] =	ssyncadd.s32 $0xFFFFFFFF  }
0xa5: {  	s26 =	simm.s32 $execute0_lowered;
	[smem:$0x3FD2] =	sst s25  }
0xa6: {  	s5 =	sshll.u32 s26, $0x1;
	_ =	strace $0x80000046;
	[dreg:$0x1] =	wrdreg $0xFFFFFFFF  }
0xa7: {  	s28 =	simm.s32 $_size_execute0_lowered;
	s3 =	sadd.s32 s3, s5;
	[dreg:$0x0] =	wrdreg $0x0  }
0xa8: {  	s5 =	sshll.u32 s28, $0x1;
	[dreg:$0x2] =	wrdreg s3  }
0xa9: {  	[dreg:$0x3] =	wrdreg s5  }
0xaa: {  	[dreg:$0x4] =	wrdreg $0xC0  }
0xab: {  	_ =	task [dreg:s7], $0x5FFFF  }
0xac: {  	[dreg:$0x1] =	wrdreg $0xFFFFFFFF  }
0xad: {  	[dreg:$0x0] =	wrdreg $0x60  }
0xae: {  	[dreg:$0x2] =	wrdreg s24  }
0xaf: {  	[dreg:$0x3] =	wrdreg s2  }
0xb0: {  	[dreg:$0x4] =	wrdreg $0x9  }
0xb1: {  	_ =	task.clear_ibuf [dreg:s7], $0x5FFFF;
	_ =	strace $0x90000046  }
0xb2: {  	s29 =	simm.s32 $0x9;
	_ =	strace $0x80000048  }
0xb3: {  	_ =	swait.ge [sflag:s29], $0x1  }
0xb4: {  	[sflag:s29] =	ssyncadd.s32 $0xFFFFFFFF  }
0xb5: {  	_ =	strace $0x90000048  }
0xb6: {  	_ =	sfence  }
0xb7: {  	s30 =	sld [smem:$0x0];
	_ =	sdelay $0x2  }
0xb8: {  	s31 =	sshll.u32 s1, $0xD;
	s1 =	sshrl.u32 s1, $0x2  }
0xb9: {  	s3 =	sand.u32 $0x4000, s31;
	s1 =	sadd.s32 s1, s30  }
0xba: {  	s0 =	sor.u32 s3, s0;
	s1 =	sshll.u32 s1, $0x11  }
0xbb: {  	s0 =	sor.u32 s1, s0  }
0xbc: {  	s0 =	sadd.s32 $0x8F2B, s0  }
0xbd: {  	[sflag:s0] =	ssyncadd.remote.s32 $0x1  }
0xbe: {  	_ =	sfence.sel $0xFFFF  }
0xbf: {  	[dreg:$0x0] =	wrdreg $0xFFFFFFFF;
	(pc) =	sbr.abs _section_cstart, $3  }
0xc0: {  	[dreg:$0x1] =	wrdreg $0xFFFFFFFF  }
0xc1: {  	_ =	task.clear_ibuf [dreg:s7], $0x2FFFF;
	_ =	strace $0x9FFFFFFF  }
0xc2: {  	(tm) =	ssettm $0x7FFFFFFF  }
0xc3: {  	_ =	shalt  }
tec
execute0_lowered:
.L_overlay_start_1:
0x0: {  	(tag) =	ssettag $0x1  }
0x1: {  	s0 =	srdreg.scid;
	s1 =	rddreg [dreg:$0x0]  }
0x2: {  	s3 =	stileid.u32;
	s2 =	rddreg [dreg:$0x1];
	s10 =	simm.s32 $0x0  }
0x3: {  	s14 =	simm.s32 $0x200;
	s24 =	simm.s32 $0x4000;
	s13 =	simm.s32 $0x80  }
0x4: {  	s6 =	simm.s32 $0x600;
	s5 =	simm.s32 $0x8600;
	s25 =	simm.s32 $0x400  }
0x5: {  	s26 =	simm.s32 $0x2600;
	s17 =	simm.s32 $0xA600;
	s18 =	simm.s32 $0x480  }
0x6: {  	s19 =	simm.s32 $0x12600;
	s20 =	simm.s32 $0x100;
	s21 =	simm.s32 $0x4600  }
0x7: {  	s28 =	simm.s32 $0x6600;
	s29 =	simm.s32 $0x380;
	p0 =	por $0x0, $0x0  }
0x8: {  	s30 =	simm.s32 $0xE600;
	s31 =	simm.s32 $0x580;
	s16 =	simm.s32 $0x16600  }
0x9: {  	s11 =	simm.s32 $0x1;
	s7 =	simm.s32 $0x40;
	s8 =	simm.s32 $0xC0  }
0xa: {  	s0 =	sand.u32 $0x1, s0;
	s3 =	sshll.u32 s3, $0xA;
	[smem:$0x7FF] =	sst s10  }
0xb: {  	s9 =	sadd.s32 $0xF43000, s1;
	_ =	strace $0x80000047;
	[dreg:$0x6] =	wrdreg s24  }
0xc: {  	s4 =	sshll.u32 s0, $0x9;
	s0 =	ssub.s32 $0x2, s0;
	[dreg:$0x7] =	wrdreg s25  }
0xd: {  	s12 =	sadd.s32 $0xC00, s1;
	[dreg:$0x8] =	wrdreg s26;
	s22 =	sshrl.u32 s0, $0x1  }
0xe: {  	s24 =	simm.s32 $0x500;
	s3 =	sor.u32 s4, s3;
	s0 =	ssub.s32 s0, s22  }
0xf: {  	s4 =	sshrl.u32 s3, $0x3;
	s3 =	smul.u32 $0x18, s3;
	s0 =	smax.u32 s0, $0x1  }
0x10: {  	s25 =	simm.s32 $0x14600;
	s4 =	sadd.s32 s4, s1;
	p1 =	sne.s32 s0, $0x1  }
.Ltmp0:
0x11: {  	s4 =	sadd.s32 $0x2C00, s4;
	s2 =	sadd.s32 s2, s3;
	(pc) =	sbr.rel @!p1 .LBB2_1-.Ltmp0, $4  }
0x12: {  	s26 =	simm.s32 $0x180;
	[dreg:$0x3] =	wrdreg s4;
	s3 =	sadd.s32 $0x8, s2  }
0x13: {  	s22 =	simm.s32 $0x300;
	s23 =	sadd.s32 $0x10, s2;
	[dreg:$0x4] =	wrdreg s3  }
0x14: {  	s15 =	sadd.s32 $0xFFFFFFFF, s0;
	s4 =	simm.s32 $0x10600;
	[dreg:$0x5] =	wrdreg s23  }
0x15: {  	s3 =	simm.s32 $0x2;
	s23 =	simm.s32 $0xC600;
	s0 =	rddreg [dreg:$0x3]  }
0x16: {  	s1 =	rddreg [dreg:$0x6]  }
0x17: {  	[tilespmem:s10], [sflag:$0x2] =	stream.strided.gather [hbm4b:s0+s14], $0x600, s1, s14, $0x38;
	[tilespmem:$0x18600] =	vst v63  }
0x18: {  	_ =	swait.ge [sflag:s3], $0x600  }
0x19: {  	[sflag:s3] =	ssyncset.done $0x0  }
0x1a: {  	[sflag:s3] =	ssyncadd.s32 $0xFFFFFA00  }
0x1b: {  	[tilespmem:s6], [sflag:$0x1] =	stream.indirect.gather [hbm4b:s9+s13], $0x40, s10, s13, $0xb8;
	[tilespmem:$0x18600] =	vst v63  }
0x1c: {  	_ = 	snop  }
0x1d: {  	[tilespmem:s5], [sflag:$0x1] =	stream.indirect.gather [hbm4b:s12+s13], $0x40, s14, s13, $0xb8;
	[tilespmem:$0x18600] =	vst v63  }
0x1e: {  	s0 =	rddreg [dreg:$0x7]  }
0x1f: {  	[tilespmem:s4], [sflag:$0x1] =	stream.indirect.gather [hbm4b:s9+s13], $0x40, s0, s13, $0xb8;
	[tilespmem:$0x18600] =	vst v63  }
0x20: {  	s1 =	rddreg [dreg:$0x8]  }
0x21: {  	[tilespmem:s1], [sflag:$0x1] =	stream.indirect.gather [hbm4b:s9+s13], $0x40, s13, s13, $0xb8;
	[tilespmem:$0x18600] =	vst v63  }
0x22: {  	s1 =	simm.s32 $0x280  }
0x23: {  	[tilespmem:s17], [sflag:$0x1] =	stream.indirect.gather [hbm4b:s12+s13], $0x40, s1, s13, $0xb8;
	[tilespmem:$0x18600] =	vst v63  }
0x24: {  	_ = 	snop  }
0x25: {  	[tilespmem:s19], [sflag:$0x1] =	stream.indirect.gather [hbm4b:s9+s13], $0x40, s18, s13, $0xb8;
	[tilespmem:$0x18600] =	vst v63  }
0x26: {  	_ = 	snop  }
0x27: {  	[tilespmem:s21], [sflag:$0x1] =	stream.indirect.gather [hbm4b:s9+s13], $0x40, s20, s13, $0xb8;
	[tilespmem:$0x18600] =	vst v63  }
0x28: {  	_ = 	snop  }
0x29: {  	[tilespmem:s23], [sflag:$0x1] =	stream.indirect.gather [hbm4b:s12+s13], $0x40, s22, s13, $0xb8;
	[tilespmem:$0x18600] =	vst v63  }
0x2a: {  	_ = 	snop  }
0x2b: {  	[tilespmem:s25], [sflag:$0x1] =	stream.indirect.gather [hbm4b:s9+s13], $0x40, s24, s13, $0xb8;
	[tilespmem:$0x18600] =	vst v63  }
0x2c: {  	_ = 	snop  }
0x2d: {  	[tilespmem:s28], [sflag:$0x1] =	stream.indirect.gather [hbm4b:s9+s13], $0x40, s26, s13, $0xb8;
	[tilespmem:$0x18600] =	vst v63  }
0x2e: {  	_ = 	snop  }
0x2f: {  	[tilespmem:s30], [sflag:$0x1] =	stream.indirect.gather [hbm4b:s12+s13], $0x40, s29, s13, $0xb8;
	[tilespmem:$0x18600] =	vst v63  }
0x30: {  	_ = 	snop  }
0x31: {  	[tilespmem:s16], [sflag:$0x1] =	stream.indirect.gather [hbm4b:s9+s13], $0x40, s31, s13, $0xb8;
	[tilespmem:$0x18600] =	vst v63  }
0x32: {  	_ =	swait.ge [sflag:s11], $0x2000  }
0x33: {  	[sflag:s11] =	ssyncset.done $0x0  }
0x34: {  	[sflag:s11] =	ssyncadd.s32 $0xFFFFE000  }
0x35: {  	_ =	swait.ge [sflag:s11], $0x2000  }
0x36: {  	[sflag:s11] =	ssyncset.done $0x0  }
0x37: {  	[sflag:s11] =	ssyncadd.s32 $0xFFFFE000  }
0x38: {  	_ =	swait.ge [sflag:s11], $0x2000  }
0x39: {  	[sflag:s11] =	ssyncset.done $0x0  }
0x3a: {  	[sflag:s11] =	ssyncadd.s32 $0xFFFFE000  }
0x3b: {  	_ =	swait.ge [sflag:s11], $0x2000  }
0x3c: {  	[sflag:s11] =	ssyncset.done $0x0  }
0x3d: {  	[sflag:s11] =	ssyncadd.s32 $0xFFFFE000  }
0x3e: {  	_ =	swait.ge [sflag:s11], $0x2000  }
0x3f: {  	[sflag:s11] =	ssyncset.done $0x0  }
0x40: {  	[sflag:s11] =	ssyncadd.s32 $0xFFFFE000  }
0x41: {  	_ =	swait.ge [sflag:s11], $0x2000  }
0x42: {  	[sflag:s11] =	ssyncset.done $0x0  }
0x43: {  	[sflag:s11] =	ssyncadd.s32 $0xFFFFE000  }
0x44: {  	_ =	swait.ge [sflag:s11], $0x2000  }
0x45: {  	[sflag:s11] =	ssyncset.done $0x0  }
0x46: {  	[sflag:s11] =	ssyncadd.s32 $0xFFFFE000  }
0x47: {  	_ =	swait.ge [sflag:s11], $0x2000  }
0x48: {  	[sflag:s11] =	ssyncset.done $0x0  }
0x49: {  	[sflag:s11] =	ssyncadd.s32 $0xFFFFE000  }
0x4a: {  	_ =	swait.ge [sflag:s11], $0x2000  }
0x4b: {  	[sflag:s11] =	ssyncset.done $0x0  }
0x4c: {  	[sflag:s11] =	ssyncadd.s32 $0xFFFFE000  }
0x4d: {  	_ =	swait.ge [sflag:s11], $0x2000  }
0x4e: {  	[sflag:s11] =	ssyncset.done $0x0  }
0x4f: {  	[sflag:s11] =	ssyncadd.s32 $0xFFFFE000  }
0x50: {  	_ =	swait.ge [sflag:s11], $0x2000  }
0x51: {  	[sflag:s11] =	ssyncset.done $0x0  }
0x52: {  	[sflag:s11] =	ssyncadd.s32 $0xFFFFE000  }
0x53: {  	_ =	swait.ge [sflag:s11], $0x2000  }
0x54: {  	[sflag:s11] =	ssyncset.done $0x0  }
0x55: {  	[sflag:s11] =	ssyncadd.s32 $0xFFFFE000  }
0x56: {  	[hbm4b:s2+s7] =	stream.strided.scatter [tilespmem:s6], [sflag:$0x2], $0x8000, s8, s7, $0x38;
	[tilespmem:$0x18600] =	vst v63  }
0x57: {  	_ =	swait.ge [sflag:s3], $0x8000  }
0x58: {  	[sflag:s3] =	ssyncset.done $0x0  }
0x59: {  	s1 =	rddreg [dreg:$0x4];
	[sflag:s3] =	ssyncadd.s32 $0xFFFF8000  }
0x5a: {  	[hbm4b:s1+s7] =	stream.strided.scatter [tilespmem:s5], [sflag:$0x2], $0x8000, s8, s7, $0x38;
	[tilespmem:$0x18600] =	vst v63  }
0x5b: {  	p1 =	sne.s32 s15, $0x1;
	_ =	swait.ge [sflag:s3], $0x8000  }
.Ltmp1:
0x5c: {  	[sflag:s3] =	ssyncset.done $0x0;
	(pc) =	sbr.rel @!p1 .LBB2_3-.Ltmp1, $4  }
0x5d: {  	s1 =	rddreg [dreg:$0x5];
	[sflag:s3] =	ssyncadd.s32 $0xFFFF8000  }
0x5e: {  	[hbm4b:s1+s7] =	stream.strided.scatter [tilespmem:s4], [sflag:$0x2], $0x8000, s8, s7, $0x38;
	[tilespmem:$0x18600] =	vst v63  }
0x5f: {  	p0 =	por $0x1, $0x1;
	_ =	swait.ge [sflag:s3], $0x8000  }
0x60: {  	s1 =	sadd.s32 $0xFFFFFFFF, s15;
	s0 =	rddreg [dreg:$0x3];
	[sflag:s3] =	ssyncset.done $0x0  }
.LBB2_4:
0x61: {  	s15 =	rddreg [dreg:$0x6];
	[sflag:s3] =	ssyncadd.s32 $0xFFFF8000  }
0x62: {  	[tilespmem:s10], [sflag:$0x2] =	stream.strided.gather [hbm4b:s0+s14], $0x600, s15, s14, $0x38;
	[tilespmem:$0x18600] =	vst v63  }
0x63: {  	_ =	swait.ge [sflag:s3], $0x600  }
0x64: {  	[sflag:s3] =	ssyncset.done $0x0  }
0x65: {  	[sflag:s3] =	ssyncadd.s32 $0xFFFFFA00  }
0x66: {  	[tilespmem:s6], [sflag:$0x1] =	stream.indirect.gather [hbm4b:s9+s13], $0x40, s10, s13, $0xb8;
	[tilespmem:$0x18600] =	vst v63  }
0x67: {  	_ = 	snop  }
0x68: {  	[tilespmem:s5], [sflag:$0x1] =	stream.indirect.gather [hbm4b:s12+s13], $0x40, s14, s13, $0xb8;
	[tilespmem:$0x18600] =	vst v63  }
0x69: {  	s0 =	rddreg [dreg:$0x7]  }
0x6a: {  	[tilespmem:s4], [sflag:$0x1] =	stream.indirect.gather [hbm4b:s9+s13], $0x40, s0, s13, $0xb8;
	[tilespmem:$0x18600] =	vst v63  }
0x6b: {  	s15 =	rddreg [dreg:$0x8]  }
0x6c: {  	[tilespmem:s15], [sflag:$0x1] =	stream.indirect.gather [hbm4b:s9+s13], $0x40, s13, s13, $0xb8;
	[tilespmem:$0x18600] =	vst v63  }
0x6d: {  	s15 =	simm.s32 $0x280  }
0x6e: {  	[tilespmem:s17], [sflag:$0x1] =	stream.indirect.gather [hbm4b:s12+s13], $0x40, s15, s13, $0xb8;
	[tilespmem:$0x18600] =	vst v63  }
0x6f: {  	_ = 	snop  }
0x70: {  	[tilespmem:s19], [sflag:$0x1] =	stream.indirect.gather [hbm4b:s9+s13], $0x40, s18, s13, $0xb8;
	[tilespmem:$0x18600] =	vst v63  }
0x71: {  	_ = 	snop  }
0x72: {  	[tilespmem:s21], [sflag:$0x1] =	stream.indirect.gather [hbm4b:s9+s13], $0x40, s20, s13, $0xb8;
	[tilespmem:$0x18600] =	vst v63  }
0x73: {  	_ = 	snop  }
0x74: {  	[tilespmem:s23], [sflag:$0x1] =	stream.indirect.gather [hbm4b:s12+s13], $0x40, s22, s13, $0xb8;
	[tilespmem:$0x18600] =	vst v63  }
0x75: {  	_ = 	snop  }
0x76: {  	[tilespmem:s25], [sflag:$0x1] =	stream.indirect.gather [hbm4b:s9+s13], $0x40, s24, s13, $0xb8;
	[tilespmem:$0x18600] =	vst v63  }
0x77: {  	_ = 	snop  }
0x78: {  	[tilespmem:s28], [sflag:$0x1] =	stream.indirect.gather [hbm4b:s9+s13], $0x40, s26, s13, $0xb8;
	[tilespmem:$0x18600] =	vst v63  }
0x79: {  	_ = 	snop  }
0x7a: {  	[tilespmem:s30], [sflag:$0x1] =	stream.indirect.gather [hbm4b:s12+s13], $0x40, s29, s13, $0xb8;
	[tilespmem:$0x18600] =	vst v63  }
0x7b: {  	_ = 	snop  }
0x7c: {  	[tilespmem:s16], [sflag:$0x1] =	stream.indirect.gather [hbm4b:s9+s13], $0x40, s31, s13, $0xb8;
	[tilespmem:$0x18600] =	vst v63  }
0x7d: {  	_ =	swait.ge [sflag:s11], $0x2000  }
0x7e: {  	[sflag:s11] =	ssyncset.done $0x0  }
0x7f: {  	[sflag:s11] =	ssyncadd.s32 $0xFFFFE000  }
0x80: {  	_ =	swait.ge [sflag:s11], $0x2000  }
0x81: {  	[sflag:s11] =	ssyncset.done $0x0  }
0x82: {  	[sflag:s11] =	ssyncadd.s32 $0xFFFFE000  }
0x83: {  	_ =	swait.ge [sflag:s11], $0x2000  }
0x84: {  	[sflag:s11] =	ssyncset.done $0x0  }
0x85: {  	[sflag:s11] =	ssyncadd.s32 $0xFFFFE000  }
0x86: {  	_ =	swait.ge [sflag:s11], $0x2000  }
0x87: {  	[sflag:s11] =	ssyncset.done $0x0  }
0x88: {  	[sflag:s11] =	ssyncadd.s32 $0xFFFFE000  }
0x89: {  	_ =	swait.ge [sflag:s11], $0x2000  }
0x8a: {  	[sflag:s11] =	ssyncset.done $0x0  }
0x8b: {  	[sflag:s11] =	ssyncadd.s32 $0xFFFFE000  }
0x8c: {  	_ =	swait.ge [sflag:s11], $0x2000  }
0x8d: {  	[sflag:s11] =	ssyncset.done $0x0  }
0x8e: {  	[sflag:s11] =	ssyncadd.s32 $0xFFFFE000  }
0x8f: {  	_ =	swait.ge [sflag:s11], $0x2000  }
0x90: {  	[sflag:s11] =	ssyncset.done $0x0  }
0x91: {  	[sflag:s11] =	ssyncadd.s32 $0xFFFFE000  }
0x92: {  	_ =	swait.ge [sflag:s11], $0x2000  }
0x93: {  	[sflag:s11] =	ssyncset.done $0x0  }
0x94: {  	[sflag:s11] =	ssyncadd.s32 $0xFFFFE000  }
0x95: {  	_ =	swait.ge [sflag:s11], $0x2000  }
0x96: {  	[sflag:s11] =	ssyncset.done $0x0  }
0x97: {  	[sflag:s11] =	ssyncadd.s32 $0xFFFFE000  }
0x98: {  	_ =	swait.ge [sflag:s11], $0x2000  }
0x99: {  	[sflag:s11] =	ssyncset.done $0x0  }
0x9a: {  	[sflag:s11] =	ssyncadd.s32 $0xFFFFE000  }
0x9b: {  	_ =	swait.ge [sflag:s11], $0x2000  }
0x9c: {  	[sflag:s11] =	ssyncset.done $0x0  }
0x9d: {  	[sflag:s11] =	ssyncadd.s32 $0xFFFFE000  }
0x9e: {  	_ =	swait.ge [sflag:s11], $0x2000  }
0x9f: {  	[sflag:s11] =	ssyncset.done $0x0  }
0xa0: {  	[sflag:s11] =	ssyncadd.s32 $0xFFFFE000  }
0xa1: {  	[hbm4b:s2+s7] =	stream.strided.scatter [tilespmem:s6], [sflag:$0x2], $0x8000, s8, s7, $0x38;
	[tilespmem:$0x18600] =	vst v63  }
0xa2: {  	_ =	swait.ge [sflag:s3], $0x8000  }
0xa3: {  	[sflag:s3] =	ssyncset.done $0x0  }
0xa4: {  	s15 =	rddreg [dreg:$0x4];
	[sflag:s3] =	ssyncadd.s32 $0xFFFF8000  }
0xa5: {  	[hbm4b:s15+s7] =	stream.strided.scatter [tilespmem:s5], [sflag:$0x2], $0x8000, s8, s7, $0x38;
	[tilespmem:$0x18600] =	vst v63  }
0xa6: {  	p1 =	sne.s32 s1, $0x1;
	_ =	swait.ge [sflag:s3], $0x8000  }
.Ltmp2:
0xa7: {  	[sflag:s3] =	ssyncset.done $0x0;
	(pc) =	sbr.rel @p1 .LBB2_4-.Ltmp2, $4  }
0xa8: {  	s15 =	rddreg [dreg:$0x5];
	[sflag:s3] =	ssyncadd.s32 $0xFFFF8000  }
0xa9: {  	[hbm4b:s15+s7] =	stream.strided.scatter [tilespmem:s4], [sflag:$0x2], $0x8000, s8, s7, $0x38;
	[tilespmem:$0x18600] =	vst v63  }
0xaa: {  	_ =	swait.ge [sflag:s3], $0x8000  }
0xab: {  	s1 =	sadd.s32 $0xFFFFFFFF, s1;
	s0 =	rddreg [dreg:$0x3];
	[sflag:s3] =	ssyncset.done $0x0  }
0xac: {  	s15 =	simm.s32 $0x16600  }
0xad: {  	s31 =	simm.s32 $0x580;
	s30 =	simm.s32 $0xE600;
	s29 =	simm.s32 $0x380  }
0xae: {  	s28 =	simm.s32 $0x6600;
	s26 =	simm.s32 $0x180;
	s25 =	simm.s32 $0x14600  }
0xaf: {  	s24 =	simm.s32 $0x500;
	s23 =	simm.s32 $0xC600;
	s22 =	simm.s32 $0x300  }
0xb0: {  	s21 =	simm.s32 $0x4600;
	s20 =	simm.s32 $0x100;
	s19 =	simm.s32 $0x12600  }
0xb1: {  	s18 =	simm.s32 $0x480;
	s17 =	simm.s32 $0xA600;
	s16 =	simm.s32 $0x280  }
.LBB2_6:
0xb2: {  	s1 =	rddreg [dreg:$0x6];
	[sflag:s3] =	ssyncadd.s32 @p0 $0xFFFF8000  }
0xb3: {  	[tilespmem:s10], [sflag:$0x2] =	stream.strided.gather [hbm4b:s0+s14], $0x600, s1, s14, $0x38;
	[tilespmem:$0x18600] =	vst v63  }
0xb4: {  	_ =	swait.ge [sflag:s3], $0x600  }
0xb5: {  	[sflag:s3] =	ssyncset.done $0x0  }
0xb6: {  	[sflag:s3] =	ssyncadd.s32 $0xFFFFFA00  }
0xb7: {  	[tilespmem:s6], [sflag:$0x1] =	stream.indirect.gather [hbm4b:s9+s13], $0x40, s10, s13, $0xb8;
	[tilespmem:$0x18600] =	vst v63  }
0xb8: {  	_ = 	snop  }
0xb9: {  	[tilespmem:s5], [sflag:$0x1] =	stream.indirect.gather [hbm4b:s12+s13], $0x40, s14, s13, $0xb8;
	[tilespmem:$0x18600] =	vst v63  }
0xba: {  	s10 =	rddreg [dreg:$0x7]  }
0xbb: {  	[tilespmem:s4], [sflag:$0x1] =	stream.indirect.gather [hbm4b:s9+s13], $0x40, s10, s13, $0xb8;
	[tilespmem:$0x18600] =	vst v63  }
0xbc: {  	s14 =	rddreg [dreg:$0x8]  }
0xbd: {  	[tilespmem:s14], [sflag:$0x1] =	stream.indirect.gather [hbm4b:s9+s13], $0x40, s13, s13, $0xb8;
	[tilespmem:$0x18600] =	vst v63  }
0xbe: {  	_ = 	snop  }
0xbf: {  	[tilespmem:s17], [sflag:$0x1] =	stream.indirect.gather [hbm4b:s12+s13], $0x40, s16, s13, $0xb8;
	[tilespmem:$0x18600] =	vst v63  }
0xc0: {  	_ = 	snop  }
0xc1: {  	[tilespmem:s19], [sflag:$0x1] =	stream.indirect.gather [hbm4b:s9+s13], $0x40, s18, s13, $0xb8;
	[tilespmem:$0x18600] =	vst v63  }
0xc2: {  	_ = 	snop  }
0xc3: {  	[tilespmem:s21], [sflag:$0x1] =	stream.indirect.gather [hbm4b:s9+s13], $0x40, s20, s13, $0xb8;
	[tilespmem:$0x18600] =	vst v63  }
0xc4: {  	_ = 	snop  }
0xc5: {  	[tilespmem:s23], [sflag:$0x1] =	stream.indirect.gather [hbm4b:s12+s13], $0x40, s22, s13, $0xb8;
	[tilespmem:$0x18600] =	vst v63  }
0xc6: {  	_ = 	snop  }
0xc7: {  	[tilespmem:s25], [sflag:$0x1] =	stream.indirect.gather [hbm4b:s9+s13], $0x40, s24, s13, $0xb8;
	[tilespmem:$0x18600] =	vst v63  }
0xc8: {  	_ = 	snop  }
0xc9: {  	[tilespmem:s28], [sflag:$0x1] =	stream.indirect.gather [hbm4b:s9+s13], $0x40, s26, s13, $0xb8;
	[tilespmem:$0x18600] =	vst v63  }
0xca: {  	_ = 	snop  }
0xcb: {  	[tilespmem:s30], [sflag:$0x1] =	stream.indirect.gather [hbm4b:s12+s13], $0x40, s29, s13, $0xb8;
	[tilespmem:$0x18600] =	vst v63  }
0xcc: {  	_ = 	snop  }
0xcd: {  	[tilespmem:s15], [sflag:$0x1] =	stream.indirect.gather [hbm4b:s9+s13], $0x40, s31, s13, $0xb8;
	[tilespmem:$0x18600] =	vst v63  }
0xce: {  	_ =	swait.ge [sflag:s11], $0x2000  }
0xcf: {  	[sflag:s11] =	ssyncset.done $0x0  }
0xd0: {  	[sflag:s11] =	ssyncadd.s32 $0xFFFFE000  }
0xd1: {  	_ =	swait.ge [sflag:s11], $0x2000  }
0xd2: {  	[sflag:s11] =	ssyncset.done $0x0  }
0xd3: {  	[sflag:s11] =	ssyncadd.s32 $0xFFFFE000  }
0xd4: {  	_ =	swait.ge [sflag:s11], $0x2000  }
0xd5: {  	[sflag:s11] =	ssyncset.done $0x0  }
0xd6: {  	[sflag:s11] =	ssyncadd.s32 $0xFFFFE000  }
0xd7: {  	_ =	swait.ge [sflag:s11], $0x2000  }
0xd8: {  	[sflag:s11] =	ssyncset.done $0x0  }
0xd9: {  	[sflag:s11] =	ssyncadd.s32 $0xFFFFE000  }
0xda: {  	_ =	swait.ge [sflag:s11], $0x2000  }
0xdb: {  	[sflag:s11] =	ssyncset.done $0x0  }
0xdc: {  	[sflag:s11] =	ssyncadd.s32 $0xFFFFE000  }
0xdd: {  	_ =	swait.ge [sflag:s11], $0x2000  }
0xde: {  	[sflag:s11] =	ssyncset.done $0x0  }
0xdf: {  	[sflag:s11] =	ssyncadd.s32 $0xFFFFE000  }
0xe0: {  	_ =	swait.ge [sflag:s11], $0x2000  }
0xe1: {  	[sflag:s11] =	ssyncset.done $0x0  }
0xe2: {  	[sflag:s11] =	ssyncadd.s32 $0xFFFFE000  }
0xe3: {  	_ =	swait.ge [sflag:s11], $0x2000  }
0xe4: {  	[sflag:s11] =	ssyncset.done $0x0  }
0xe5: {  	[sflag:s11] =	ssyncadd.s32 $0xFFFFE000  }
0xe6: {  	_ =	swait.ge [sflag:s11], $0x2000  }
0xe7: {  	[sflag:s11] =	ssyncset.done $0x0  }
0xe8: {  	[sflag:s11] =	ssyncadd.s32 $0xFFFFE000  }
0xe9: {  	_ =	swait.ge [sflag:s11], $0x2000  }
0xea: {  	[sflag:s11] =	ssyncset.done $0x0  }
0xeb: {  	[sflag:s11] =	ssyncadd.s32 $0xFFFFE000  }
0xec: {  	_ =	swait.ge [sflag:s11], $0x2000  }
0xed: {  	[sflag:s11] =	ssyncset.done $0x0  }
0xee: {  	[sflag:s11] =	ssyncadd.s32 $0xFFFFE000  }
0xef: {  	_ =	swait.ge [sflag:s11], $0x2000  }
0xf0: {  	[sflag:s11] =	ssyncset.done $0x0  }
0xf1: {  	[sflag:s11] =	ssyncadd.s32 $0xFFFFE000  }
0xf2: {  	[hbm4b:s2+s7] =	stream.strided.scatter [tilespmem:s6], [sflag:$0x2], $0x8000, s8, s7, $0x38;
	[tilespmem:$0x18600] =	vst v63  }
0xf3: {  	_ =	swait.ge [sflag:s3], $0x8000  }
0xf4: {  	[sflag:s3] =	ssyncset.done $0x0  }
0xf5: {  	s29 =	rddreg [dreg:$0x4];
	[sflag:s3] =	ssyncadd.s32 $0xFFFF8000  }
0xf6: {  	[hbm4b:s29+s7] =	stream.strided.scatter [tilespmem:s5], [sflag:$0x2], $0x8000, s8, s7, $0x38;
	[tilespmem:$0x18600] =	vst v63  }
0xf7: {  	_ =	swait.ge [sflag:s3], $0x8000  }
0xf8: {  	[sflag:s3] =	ssyncset.done $0x0  }
0xf9: {  	s30 =	rddreg [dreg:$0x5];
	[sflag:s3] =	ssyncadd.s32 $0xFFFF8000  }
0xfa: {  	[hbm4b:s30+s7] =	stream.strided.scatter [tilespmem:s4], [sflag:$0x2], $0x8000, s8, s7, $0x38;
	[tilespmem:$0x18600] =	vst v63  }
0xfb: {  	_ =	swait.ge [sflag:s3], $0x8000  }
0xfc: {  	[sflag:s3] =	ssyncset.done $0x0  }
0xfd: {  	[sflag:s3] =	ssyncadd.s32 $0xFFFF8000  }
0xfe: {  	_ =	sfence.sel $0x180000  }
0xff: {  	[bflag:$0x0] =	sbarrier.arrive $0xFFFF  }
0x100: {  	_ =	strace $0x90000047  }
0x101: {  	s31 =	stileid.u32;
	[bflag:$0x2] =	sbarrier.arrive $0xFFFF  }
0x102: {  	p0 =	sne.s32 s31, $0x0;
	s0 =	rddreg [dreg:$0x2]  }
0x103: {  	s0 =	sadd.s32 @!p0 $0x100000, s0  }
0x104: {  	[sflag:s0] =	ssyncadd.tile.s32 @!p0 $0x1;
	_ =	shalt  }
.LBB2_1:
0x105: {  	s15 =	simm.s32 $0x16600;
	s31 =	simm.s32 $0x580  }
.Ltmp3:
0x106: {  	s30 =	simm.s32 $0xE600;
	s29 =	simm.s32 $0x380;
	(pc) =	sbr.rel .LBB2_6-.Ltmp3, $4  }
0x107: {  	s28 =	simm.s32 $0x6600;
	s26 =	simm.s32 $0x180;
	s25 =	simm.s32 $0x14600  }
0x108: {  	s24 =	simm.s32 $0x500;
	s23 =	simm.s32 $0xC600;
	s22 =	simm.s32 $0x300  }
0x109: {  	s21 =	simm.s32 $0x4600;
	s20 =	simm.s32 $0x100;
	s19 =	simm.s32 $0x12600  }
0x10a: {  	s18 =	simm.s32 $0x480;
	s17 =	simm.s32 $0xA600;
	s16 =	simm.s32 $0x280  }
.LBB2_3:
0x10b: {  	s15 =	simm.s32 $0x16600;
	s31 =	simm.s32 $0x580  }
.Ltmp4:
0x10c: {  	s30 =	simm.s32 $0xE600;
	s29 =	simm.s32 $0x380;
	(pc) =	sbr.rel .LBB2_6-.Ltmp4, $4  }
0x10d: {  	s28 =	simm.s32 $0x6600;
	s26 =	simm.s32 $0x180;
	s25 =	simm.s32 $0x14600  }
0x10e: {  	s24 =	simm.s32 $0x500;
	s23 =	simm.s32 $0xC600;
	s22 =	simm.s32 $0x300  }
0x10f: {  	s21 =	simm.s32 $0x4600;
	s20 =	simm.s32 $0x100;
	s19 =	simm.s32 $0x12600  }
0x110: {  	s18 =	simm.s32 $0x480;
	s17 =	simm.s32 $0xA600;
	s16 =	simm.s32 $0x280  }
.Lfunc_end2:
_tile_overlayer_lowered:
.L_overlay_start_2:
0x111: {  	(tag) =	ssettag $0x2  }
0x112: {  	s0 =	rddreg [dreg:$0x0];
	s2 =	stileid.u32  }
0x113: {  	s1 =	rddreg [dreg:$0x1];
	p0 =	sne.s32 s2, $0x0  }
0x114: {  	s3 =	rddreg [dreg:$0x2];
	[bflag:$0x3] =	sbarrier.arrive $0xFFFF;
	s2 =	simm.s32 @!p0 $0x1C02  }
0x115: {  	[timem:s3], [sflag:s2] =	dma.local @!p0 [hbm:s0], s1  }
0x116: {  	s0 =	simm.s32 @!p0 $0x2  }
0x117: {  	_ =	swait.ge @!p0 [sflag:s0], s1  }
0x118: {  	s1 =	ssub.s32 @!p0 $0x0, s1;
	[sflag:s0] =	ssyncset.done @!p0 $0x0  }
0x119: {  	[sflag:s0] =	ssyncadd.s32 @!p0 s1  }
0x11a: {  	[bflag:$0x3] =	sbarrier.arrive $0xFFFF  }
0x11b: {  	_ =	shalt  }

</sc_bundles>
